<compile_context>
chip_gen: v7x
topology: tpu7x:2x2x1
jax: 0.10.2.dev20260603
libtpu: 0.0.44.dev20260713+nightly
codegen_flags: <defaults>
</compile_context>

<pallas_src>
import functools

import jax
import jax.numpy as jnp
from jax.experimental import pallas as pl
from jax.experimental.pallas import tpu as pltpu
from jax.experimental.pallas import tpu_sc as plsc

B, H, D = 64, 32, 64
NUM_SLOTS = 128
NG = 3
NS = 3
NW = 32
JMAX = 4


QROWS = NUM_SLOTS * 4
QW = 32768
NROUND = (NUM_SLOTS - B) * 4 // NW // 2


def _sc_copy_body(cache4_hbm, comp3_hbm, out4_hbm, idx_v, stage):
    wid = jax.lax.axis_index("s") * 2 + jax.lax.axis_index("c")
    pltpu.sync_copy(comp3_hbm.at[wid], idx_v)
    for j in range(NROUND):
        pltpu.sync_copy(cache4_hbm.at[idx_v.at[j]], stage)
        pltpu.sync_copy(stage, out4_hbm.at[idx_v.at[j]])


@functools.lru_cache(maxsize=1)
def _make_sc_copy():
    return functools.partial(
        pl.kernel,
        out_type=jax.ShapeDtypeStruct((QROWS, QW), jnp.float32),
        mesh=plsc.VectorSubcoreMesh(core_axis_name="c",
                                    subcore_axis_name="s"),
        scratch_types=[
            pltpu.VMEM((NROUND, 2), jnp.int32),
            pltpu.VMEM((2, QW), jnp.float32),
        ],
    )(_sc_copy_body)


def _tc_body(slot_ref, cache_ref, partial_hbm, q_ref, k_ref, v_ref,
             slope_ref, newc_ref, outq_ref):
    b = pl.program_id(0)
    ratio = jnp.exp(-slope_ref[0])
    kv_old = cache_ref[0]
    k3 = k_ref[b, :, 0, :]
    v3 = v_ref[b, :, 0, :]
    q3 = q_ref[b, :, 0, :]
    kv_new = (k3[:, :, None] * v3[:, None, :]
              + ratio[:, None, None] * kv_old)
    newc_ref[0] = kv_new
    outq_ref[b, :, 0, :] = jnp.sum(q3[:, :, None] * kv_new, axis=1)


def kernel(q, k, v, kv_caches, slope_rate, slot_idx):
    slot_idx = slot_idx.astype(jnp.int32)
    touched = jnp.zeros((NUM_SLOTS,), jnp.int32).at[slot_idx].set(1)
    perm = jnp.argsort(touched, stable=True).astype(jnp.int32)
    unt = perm[:NUM_SLOTS - B]
    qs = (unt[:, None] * 4
          + jnp.arange(4, dtype=jnp.int32)[None, :]).reshape(-1)
    comp3 = qs.reshape(NW, NROUND, 2)

    cache4 = kv_caches.reshape(QROWS, QW)
    partial = _make_sc_copy()(cache4, comp3).reshape(
        NUM_SLOTS, H, D, D)

    slope2 = slope_rate.reshape(1, H)
    grid_spec = pltpu.PrefetchScalarGridSpec(
        num_scalar_prefetch=1,
        grid=(B,),
        in_specs=[
            pl.BlockSpec((1, H, D, D),
                         lambda b, slots: (slots[b], 0, 0, 0)),
            pl.BlockSpec(memory_space=pltpu.MemorySpace.HBM),
            pl.BlockSpec((B, H, 1, D), lambda b, slots: (0, 0, 0, 0)),
            pl.BlockSpec((B, H, 1, D), lambda b, slots: (0, 0, 0, 0)),
            pl.BlockSpec((B, H, 1, D), lambda b, slots: (0, 0, 0, 0)),
            pl.BlockSpec((1, H), lambda b, slots: (0, 0)),
        ],
        out_specs=[
            pl.BlockSpec((1, H, D, D),
                         lambda b, slots: (slots[b], 0, 0, 0)),
            pl.BlockSpec((B, H, 1, D), lambda b, slots: (0, 0, 0, 0)),
        ],
    )
    new_cache, output = pl.pallas_call(
        _tc_body,
        grid_spec=grid_spec,
        out_shape=[
            jax.ShapeDtypeStruct((NUM_SLOTS, H, D, D), jnp.float32),
            jax.ShapeDtypeStruct((B, H, 1, D), jnp.float32),
        ],
        input_output_aliases={2: 0},
    )(slot_idx, kv_caches, partial, q, k, v, slope2)
    return output, new_cache

# --- scband reference (transcript-rebuilt; emitter-appended) ---
"""Pipeline reference for scband-model-28681791602755 (READ-ONLY COPY).

The authoritative reference and input builder live on the scoring server;
editing this copy changes nothing except your own understanding.
"""

import jax, jax.numpy as jnp
import numpy as np

B, H, D = 64, 32, 64
NUM_SLOTS = 128

def setup_inputs(seed: int = 0) -> dict:
    key = jax.random.key(seed)
    k1, k2, k3, k4, k5 = jax.random.split(key, 5)
    q = jax.random.normal(k1, (B, H, 1, D), dtype=jnp.float32)
    k = jax.random.normal(k2, (B, H, 1, D), dtype=jnp.float32)
    v = jax.random.normal(k3, (B, H, 1, D), dtype=jnp.float32)
    kv_caches = jax.random.normal(k4, (NUM_SLOTS, H, D, D), dtype=jnp.float32)
    slope_rate = jax.random.uniform(k5, (H,), dtype=jnp.float32)
    slot_idx = jnp.arange(B, dtype=jnp.int64)
    return {"q": q, "k": k, "v": v, "kv_caches": kv_caches,
            "slope_rate": slope_rate, "slot_idx": slot_idx}

def reference(q, k, v, kv_caches, slope_rate, slot_idx):
    # q,k,v: [B,H,1,D]; kv_caches: [S,H,D,D]; slope_rate: [H]; slot_idx: [B]
    q3 = jnp.squeeze(q, axis=2)  # [B,H,D]
    k3 = jnp.squeeze(k, axis=2)
    v3 = jnp.squeeze(v, axis=2)
    ratio = jnp.exp(-slope_rate)  # [H]
    # gather per-batch kv cache blocks (memory-bound gather of [B,H,D,D])
    kv_old = jnp.take(kv_caches, slot_idx, axis=0)  # [B,H,D,D]
    kv_outer = k3[:, :, :, None] * v3[:, :, None, :]  # [B,H,D,D]
    kv_new = kv_outer + ratio[None, :, None, None] * kv_old  # [B,H,D,D]
    # output[b,h,e] = sum_d q[b,h,d] * kv_new[b,h,d,e]
    out3 = jnp.einsum('bhd,bhde->bhe', q3.astype(jnp.float32), kv_new)
    output = out3[:, :, None, :]  # [B,H,1,D]
    # scatter-overwrite updated kv blocks back into the cache (in-place store in the Triton kernel)
    new_cache = kv_caches.at[slot_idx].set(kv_new)
    return output, new_cache

if __name__ == "__main__":
    import jax
    _d = setup_inputs()
    print(jax.jit(kernel)(*tuple(_d.values())))

</pallas_src>

<mosaic_0001>
#map = affine_map<(d0, d1) -> (0, 0)>
#map1 = affine_map<(d0, d1) -> (0, 0, 0)>
module attributes {stable_mosaic.version = 14 : i64} {
  func.func @_sc_copy_body(%arg0: i32, %arg1: i32, %arg2: memref<512x32768xf32, #tpu.memory_space<hbm>>, %arg3: memref<32x4x2xi32, #tpu.memory_space<hbm>>, %arg4: memref<512x32768xf32, #tpu.memory_space<hbm>>, %arg5: memref<4x2xi32, #tpu.memory_space<vmem>>, %arg6: memref<2x32768xf32, #tpu.memory_space<vmem>>) attributes {dimension_semantics = [#tpu.dimension_semantics<core_parallel>, #tpu.dimension_semantics<subcore_parallel>], iteration_bounds = array<i64: 2, 16>, scalar_prefetch = 0 : i64, scratch_operands = 2 : i64, tpu.core_type = #tpu.core_type<sc_vector_subcore>, window_params = [{transform_indices = #map}, {transform_indices = #map1}, {transform_indices = #map}]} {
    %mul3A = arith.constant 2 : i32
    %mul3A_0 = arith.muli %arg1, %mul3A : i32
    %add3A = arith.addi %mul3A_0, %arg0 : i32
    "tpu.region"() ({
      %run_scoped3A_8 = tpu.sem_alloc : memref<!tpu.dma_semaphore, #tpu.memory_space<semaphore_mem>>
      %dma_start3A = arith.constant 0 : i32
      %dma_start3A_9 = arith.constant 0 : i32
      %dma_start3A_10 = tpu.memref_slice %arg3[%add3A, %dma_start3A, %dma_start3A_9] : memref<32x4x2xi32, #tpu.memory_space<hbm>> -> memref<1x4x2xi32, #tpu.memory_space<hbm>>
      %dma_start3A_11 = tpu.memref_squeeze %dma_start3A_10 : memref<1x4x2xi32, #tpu.memory_space<hbm>> -> memref<4x2xi32, #tpu.memory_space<hbm>>
      %dma_start3A_12 = arith.constant 0 : i32
      %dma_start3A_13 = arith.constant 0 : i32
      %dma_start3A_14 = tpu.memref_slice %arg3[%add3A, %dma_start3A_12, %dma_start3A_13] : memref<32x4x2xi32, #tpu.memory_space<hbm>> -> memref<1x4x2xi32, #tpu.memory_space<hbm>>
      %dma_start3A_15 = tpu.memref_squeeze %dma_start3A_14 : memref<1x4x2xi32, #tpu.memory_space<hbm>> -> memref<4x2xi32, #tpu.memory_space<hbm>>
      tpu.enqueue_dma source(%dma_start3A_15 : memref<4x2xi32, #tpu.memory_space<hbm>>) target(%arg5 : memref<4x2xi32, #tpu.memory_space<vmem>>) target_semaphore(%run_scoped3A_8 : memref<!tpu.dma_semaphore, #tpu.memory_space<semaphore_mem>>)
      %dma_wait3A = arith.constant 0 : i32
      %dma_wait3A_16 = arith.constant 0 : i32
      %dma_wait3A_17 = tpu.memref_slice %arg3[%add3A, %dma_wait3A, %dma_wait3A_16] : memref<32x4x2xi32, #tpu.memory_space<hbm>> -> memref<1x4x2xi32, #tpu.memory_space<hbm>>
      %dma_wait3A_18 = tpu.memref_squeeze %dma_wait3A_17 : memref<1x4x2xi32, #tpu.memory_space<hbm>> -> memref<4x2xi32, #tpu.memory_space<hbm>>
      %dma_wait3A_19 = arith.constant 0 : i32
      %dma_wait3A_20 = arith.constant 0 : i32
      %dma_wait3A_21 = tpu.memref_slice %arg3[%add3A, %dma_wait3A_19, %dma_wait3A_20] : memref<32x4x2xi32, #tpu.memory_space<hbm>> -> memref<1x4x2xi32, #tpu.memory_space<hbm>>
      %dma_wait3A_22 = tpu.memref_squeeze %dma_wait3A_21 : memref<1x4x2xi32, #tpu.memory_space<hbm>> -> memref<4x2xi32, #tpu.memory_space<hbm>>
      tpu.wait_dma2 semaphore(%run_scoped3A_8 : memref<!tpu.dma_semaphore, #tpu.memory_space<semaphore_mem>>) src(%dma_wait3A_22 : memref<4x2xi32, #tpu.memory_space<hbm>>) dst(%arg5 : memref<4x2xi32, #tpu.memory_space<vmem>>)
      tpu.yield
    }) : () -> ()
    %run_scoped3A = arith.constant 0 : i32
    "tpu.region"() ({
      %run_scoped3A_8 = tpu.sem_alloc : memref<!tpu.dma_semaphore, #tpu.memory_space<semaphore_mem>>
      %dma_start3A = arith.constant 0 : i32
      %dma_start3A_9 = tpu.memref_slice %arg5[%run_scoped3A, %dma_start3A] : memref<4x2xi32, #tpu.memory_space<vmem>> -> memref<1x2xi32, #tpu.memory_space<vmem>>
      %dma_start3A_10 = tpu.memref_squeeze %dma_start3A_9 : memref<1x2xi32, #tpu.memory_space<vmem>> -> memref<2xi32, #tpu.memory_space<vmem>>
      %dma_start3A_11 = arith.constant 0 : i32
      %dma_start3A_12 = arith.constant 0 : i32
      %dma_start3A_13 = tpu.memref_slice %arg2[%dma_start3A_11, %dma_start3A_12] : memref<512x32768xf32, #tpu.memory_space<hbm>> -> memref<512x32768xf32, #tpu.memory_space<hbm>>
      tpu.enqueue_indirect_dma source(%dma_start3A_13 : memref<512x32768xf32, #tpu.memory_space<hbm>>) target(%arg6 : memref<2x32768xf32, #tpu.memory_space<vmem>>) offsets(%dma_start3A_10 : memref<2xi32, #tpu.memory_space<vmem>>) semaphore(%run_scoped3A_8 : memref<!tpu.dma_semaphore, #tpu.memory_space<semaphore_mem>>)
      %dma_wait3A = arith.constant 0 : i32
      %dma_wait3A_14 = tpu.memref_slice %arg5[%run_scoped3A, %dma_wait3A] : memref<4x2xi32, #tpu.memory_space<vmem>> -> memref<1x2xi32, #tpu.memory_space<vmem>>
      %dma_wait3A_15 = tpu.memref_squeeze %dma_wait3A_14 : memref<1x2xi32, #tpu.memory_space<vmem>> -> memref<2xi32, #tpu.memory_space<vmem>>
      %dma_wait3A_16 = arith.constant 0 : i32
      %dma_wait3A_17 = arith.constant 0 : i32
      %dma_wait3A_18 = tpu.memref_slice %arg2[%dma_wait3A_16, %dma_wait3A_17] : memref<512x32768xf32, #tpu.memory_space<hbm>> -> memref<512x32768xf32, #tpu.memory_space<hbm>>
      tpu.wait_indirect_dma semaphore(%run_scoped3A_8 : memref<!tpu.dma_semaphore, #tpu.memory_space<semaphore_mem>>) src(%dma_wait3A_18 : memref<512x32768xf32, #tpu.memory_space<hbm>>) dst(%arg6 : memref<2x32768xf32, #tpu.memory_space<vmem>>)
      tpu.yield
    }) : () -> ()
    %run_scoped3A_1 = arith.constant 0 : i32
    "tpu.region"() ({
      %run_scoped3A_8 = tpu.sem_alloc : memref<!tpu.dma_semaphore, #tpu.memory_space<semaphore_mem>>
      %dma_start3A = arith.constant 0 : i32
      %dma_start3A_9 = tpu.memref_slice %arg5[%run_scoped3A_1, %dma_start3A] : memref<4x2xi32, #tpu.memory_space<vmem>> -> memref<1x2xi32, #tpu.memory_space<vmem>>
      %dma_start3A_10 = tpu.memref_squeeze %dma_start3A_9 : memref<1x2xi32, #tpu.memory_space<vmem>> -> memref<2xi32, #tpu.memory_space<vmem>>
      %dma_start3A_11 = arith.constant 0 : i32
      %dma_start3A_12 = arith.constant 0 : i32
      %dma_start3A_13 = tpu.memref_slice %arg4[%dma_start3A_11, %dma_start3A_12] : memref<512x32768xf32, #tpu.memory_space<hbm>> -> memref<512x32768xf32, #tpu.memory_space<hbm>>
      tpu.enqueue_indirect_dma source(%arg6 : memref<2x32768xf32, #tpu.memory_space<vmem>>) target(%dma_start3A_13 : memref<512x32768xf32, #tpu.memory_space<hbm>>) offsets(%dma_start3A_10 : memref<2xi32, #tpu.memory_space<vmem>>) semaphore(%run_scoped3A_8 : memref<!tpu.dma_semaphore, #tpu.memory_space<semaphore_mem>>)
      %dma_wait3A = arith.constant 0 : i32
      %dma_wait3A_14 = tpu.memref_slice %arg5[%run_scoped3A_1, %dma_wait3A] : memref<4x2xi32, #tpu.memory_space<vmem>> -> memref<1x2xi32, #tpu.memory_space<vmem>>
      %dma_wait3A_15 = tpu.memref_squeeze %dma_wait3A_14 : memref<1x2xi32, #tpu.memory_space<vmem>> -> memref<2xi32, #tpu.memory_space<vmem>>
      %dma_wait3A_16 = arith.constant 0 : i32
      %dma_wait3A_17 = arith.constant 0 : i32
      %dma_wait3A_18 = tpu.memref_slice %arg4[%dma_wait3A_16, %dma_wait3A_17] : memref<512x32768xf32, #tpu.memory_space<hbm>> -> memref<512x32768xf32, #tpu.memory_space<hbm>>
      tpu.wait_indirect_dma semaphore(%run_scoped3A_8 : memref<!tpu.dma_semaphore, #tpu.memory_space<semaphore_mem>>) src(%arg6 : memref<2x32768xf32, #tpu.memory_space<vmem>>) dst(%dma_wait3A_18 : memref<512x32768xf32, #tpu.memory_space<hbm>>)
      tpu.yield
    }) : () -> ()
    %run_scoped3A_2 = arith.constant 1 : i32
    "tpu.region"() ({
      %run_scoped3A_8 = tpu.sem_alloc : memref<!tpu.dma_semaphore, #tpu.memory_space<semaphore_mem>>
      %dma_start3A = arith.constant 0 : i32
      %dma_start3A_9 = tpu.memref_slice %arg5[%run_scoped3A_2, %dma_start3A] : memref<4x2xi32, #tpu.memory_space<vmem>> -> memref<1x2xi32, #tpu.memory_space<vmem>>
      %dma_start3A_10 = tpu.memref_squeeze %dma_start3A_9 : memref<1x2xi32, #tpu.memory_space<vmem>> -> memref<2xi32, #tpu.memory_space<vmem>>
      %dma_start3A_11 = arith.constant 0 : i32
      %dma_start3A_12 = arith.constant 0 : i32
      %dma_start3A_13 = tpu.memref_slice %arg2[%dma_start3A_11, %dma_start3A_12] : memref<512x32768xf32, #tpu.memory_space<hbm>> -> memref<512x32768xf32, #tpu.memory_space<hbm>>
      tpu.enqueue_indirect_dma source(%dma_start3A_13 : memref<512x32768xf32, #tpu.memory_space<hbm>>) target(%arg6 : memref<2x32768xf32, #tpu.memory_space<vmem>>) offsets(%dma_start3A_10 : memref<2xi32, #tpu.memory_space<vmem>>) semaphore(%run_scoped3A_8 : memref<!tpu.dma_semaphore, #tpu.memory_space<semaphore_mem>>)
      %dma_wait3A = arith.constant 0 : i32
      %dma_wait3A_14 = tpu.memref_slice %arg5[%run_scoped3A_2, %dma_wait3A] : memref<4x2xi32, #tpu.memory_space<vmem>> -> memref<1x2xi32, #tpu.memory_space<vmem>>
      %dma_wait3A_15 = tpu.memref_squeeze %dma_wait3A_14 : memref<1x2xi32, #tpu.memory_space<vmem>> -> memref<2xi32, #tpu.memory_space<vmem>>
      %dma_wait3A_16 = arith.constant 0 : i32
      %dma_wait3A_17 = arith.constant 0 : i32
      %dma_wait3A_18 = tpu.memref_slice %arg2[%dma_wait3A_16, %dma_wait3A_17] : memref<512x32768xf32, #tpu.memory_space<hbm>> -> memref<512x32768xf32, #tpu.memory_space<hbm>>
      tpu.wait_indirect_dma semaphore(%run_scoped3A_8 : memref<!tpu.dma_semaphore, #tpu.memory_space<semaphore_mem>>) src(%dma_wait3A_18 : memref<512x32768xf32, #tpu.memory_space<hbm>>) dst(%arg6 : memref<2x32768xf32, #tpu.memory_space<vmem>>)
      tpu.yield
    }) : () -> ()
    %run_scoped3A_3 = arith.constant 1 : i32
    "tpu.region"() ({
      %run_scoped3A_8 = tpu.sem_alloc : memref<!tpu.dma_semaphore, #tpu.memory_space<semaphore_mem>>
      %dma_start3A = arith.constant 0 : i32
      %dma_start3A_9 = tpu.memref_slice %arg5[%run_scoped3A_3, %dma_start3A] : memref<4x2xi32, #tpu.memory_space<vmem>> -> memref<1x2xi32, #tpu.memory_space<vmem>>
      %dma_start3A_10 = tpu.memref_squeeze %dma_start3A_9 : memref<1x2xi32, #tpu.memory_space<vmem>> -> memref<2xi32, #tpu.memory_space<vmem>>
      %dma_start3A_11 = arith.constant 0 : i32
      %dma_start3A_12 = arith.constant 0 : i32
      %dma_start3A_13 = tpu.memref_slice %arg4[%dma_start3A_11, %dma_start3A_12] : memref<512x32768xf32, #tpu.memory_space<hbm>> -> memref<512x32768xf32, #tpu.memory_space<hbm>>
      tpu.enqueue_indirect_dma source(%arg6 : memref<2x32768xf32, #tpu.memory_space<vmem>>) target(%dma_start3A_13 : memref<512x32768xf32, #tpu.memory_space<hbm>>) offsets(%dma_start3A_10 : memref<2xi32, #tpu.memory_space<vmem>>) semaphore(%run_scoped3A_8 : memref<!tpu.dma_semaphore, #tpu.memory_space<semaphore_mem>>)
      %dma_wait3A = arith.constant 0 : i32
      %dma_wait3A_14 = tpu.memref_slice %arg5[%run_scoped3A_3, %dma_wait3A] : memref<4x2xi32, #tpu.memory_space<vmem>> -> memref<1x2xi32, #tpu.memory_space<vmem>>
      %dma_wait3A_15 = tpu.memref_squeeze %dma_wait3A_14 : memref<1x2xi32, #tpu.memory_space<vmem>> -> memref<2xi32, #tpu.memory_space<vmem>>
      %dma_wait3A_16 = arith.constant 0 : i32
      %dma_wait3A_17 = arith.constant 0 : i32
      %dma_wait3A_18 = tpu.memref_slice %arg4[%dma_wait3A_16, %dma_wait3A_17] : memref<512x32768xf32, #tpu.memory_space<hbm>> -> memref<512x32768xf32, #tpu.memory_space<hbm>>
      tpu.wait_indirect_dma semaphore(%run_scoped3A_8 : memref<!tpu.dma_semaphore, #tpu.memory_space<semaphore_mem>>) src(%arg6 : memref<2x32768xf32, #tpu.memory_space<vmem>>) dst(%dma_wait3A_18 : memref<512x32768xf32, #tpu.memory_space<hbm>>)
      tpu.yield
    }) : () -> ()
    %run_scoped3A_4 = arith.constant 2 : i32
    "tpu.region"() ({
      %run_scoped3A_8 = tpu.sem_alloc : memref<!tpu.dma_semaphore, #tpu.memory_space<semaphore_mem>>
      %dma_start3A = arith.constant 0 : i32
      %dma_start3A_9 = tpu.memref_slice %arg5[%run_scoped3A_4, %dma_start3A] : memref<4x2xi32, #tpu.memory_space<vmem>> -> memref<1x2xi32, #tpu.memory_space<vmem>>
      %dma_start3A_10 = tpu.memref_squeeze %dma_start3A_9 : memref<1x2xi32, #tpu.memory_space<vmem>> -> memref<2xi32, #tpu.memory_space<vmem>>
      %dma_start3A_11 = arith.constant 0 : i32
      %dma_start3A_12 = arith.constant 0 : i32
      %dma_start3A_13 = tpu.memref_slice %arg2[%dma_start3A_11, %dma_start3A_12] : memref<512x32768xf32, #tpu.memory_space<hbm>> -> memref<512x32768xf32, #tpu.memory_space<hbm>>
      tpu.enqueue_indirect_dma source(%dma_start3A_13 : memref<512x32768xf32, #tpu.memory_space<hbm>>) target(%arg6 : memref<2x32768xf32, #tpu.memory_space<vmem>>) offsets(%dma_start3A_10 : memref<2xi32, #tpu.memory_space<vmem>>) semaphore(%run_scoped3A_8 : memref<!tpu.dma_semaphore, #tpu.memory_space<semaphore_mem>>)
      %dma_wait3A = arith.constant 0 : i32
      %dma_wait3A_14 = tpu.memref_slice %arg5[%run_scoped3A_4, %dma_wait3A] : memref<4x2xi32, #tpu.memory_space<vmem>> -> memref<1x2xi32, #tpu.memory_space<vmem>>
      %dma_wait3A_15 = tpu.memref_squeeze %dma_wait3A_14 : memref<1x2xi32, #tpu.memory_space<vmem>> -> memref<2xi32, #tpu.memory_space<vmem>>
      %dma_wait3A_16 = arith.constant 0 : i32
      %dma_wait3A_17 = arith.constant 0 : i32
      %dma_wait3A_18 = tpu.memref_slice %arg2[%dma_wait3A_16, %dma_wait3A_17] : memref<512x32768xf32, #tpu.memory_space<hbm>> -> memref<512x32768xf32, #tpu.memory_space<hbm>>
      tpu.wait_indirect_dma semaphore(%run_scoped3A_8 : memref<!tpu.dma_semaphore, #tpu.memory_space<semaphore_mem>>) src(%dma_wait3A_18 : memref<512x32768xf32, #tpu.memory_space<hbm>>) dst(%arg6 : memref<2x32768xf32, #tpu.memory_space<vmem>>)
      tpu.yield
    }) : () -> ()
    %run_scoped3A_5 = arith.constant 2 : i32
    "tpu.region"() ({
      %run_scoped3A_8 = tpu.sem_alloc : memref<!tpu.dma_semaphore, #tpu.memory_space<semaphore_mem>>
      %dma_start3A = arith.constant 0 : i32
      %dma_start3A_9 = tpu.memref_slice %arg5[%run_scoped3A_5, %dma_start3A] : memref<4x2xi32, #tpu.memory_space<vmem>> -> memref<1x2xi32, #tpu.memory_space<vmem>>
      %dma_start3A_10 = tpu.memref_squeeze %dma_start3A_9 : memref<1x2xi32, #tpu.memory_space<vmem>> -> memref<2xi32, #tpu.memory_space<vmem>>
      %dma_start3A_11 = arith.constant 0 : i32
      %dma_start3A_12 = arith.constant 0 : i32
      %dma_start3A_13 = tpu.memref_slice %arg4[%dma_start3A_11, %dma_start3A_12] : memref<512x32768xf32, #tpu.memory_space<hbm>> -> memref<512x32768xf32, #tpu.memory_space<hbm>>
      tpu.enqueue_indirect_dma source(%arg6 : memref<2x32768xf32, #tpu.memory_space<vmem>>) target(%dma_start3A_13 : memref<512x32768xf32, #tpu.memory_space<hbm>>) offsets(%dma_start3A_10 : memref<2xi32, #tpu.memory_space<vmem>>) semaphore(%run_scoped3A_8 : memref<!tpu.dma_semaphore, #tpu.memory_space<semaphore_mem>>)
      %dma_wait3A = arith.constant 0 : i32
      %dma_wait3A_14 = tpu.memref_slice %arg5[%run_scoped3A_5, %dma_wait3A] : memref<4x2xi32, #tpu.memory_space<vmem>> -> memref<1x2xi32, #tpu.memory_space<vmem>>
      %dma_wait3A_15 = tpu.memref_squeeze %dma_wait3A_14 : memref<1x2xi32, #tpu.memory_space<vmem>> -> memref<2xi32, #tpu.memory_space<vmem>>
      %dma_wait3A_16 = arith.constant 0 : i32
      %dma_wait3A_17 = arith.constant 0 : i32
      %dma_wait3A_18 = tpu.memref_slice %arg4[%dma_wait3A_16, %dma_wait3A_17] : memref<512x32768xf32, #tpu.memory_space<hbm>> -> memref<512x32768xf32, #tpu.memory_space<hbm>>
      tpu.wait_indirect_dma semaphore(%run_scoped3A_8 : memref<!tpu.dma_semaphore, #tpu.memory_space<semaphore_mem>>) src(%arg6 : memref<2x32768xf32, #tpu.memory_space<vmem>>) dst(%dma_wait3A_18 : memref<512x32768xf32, #tpu.memory_space<hbm>>)
      tpu.yield
    }) : () -> ()
    %run_scoped3A_6 = arith.constant 3 : i32
    "tpu.region"() ({
      %run_scoped3A_8 = tpu.sem_alloc : memref<!tpu.dma_semaphore, #tpu.memory_space<semaphore_mem>>
      %dma_start3A = arith.constant 0 : i32
      %dma_start3A_9 = tpu.memref_slice %arg5[%run_scoped3A_6, %dma_start3A] : memref<4x2xi32, #tpu.memory_space<vmem>> -> memref<1x2xi32, #tpu.memory_space<vmem>>
      %dma_start3A_10 = tpu.memref_squeeze %dma_start3A_9 : memref<1x2xi32, #tpu.memory_space<vmem>> -> memref<2xi32, #tpu.memory_space<vmem>>
      %dma_start3A_11 = arith.constant 0 : i32
      %dma_start3A_12 = arith.constant 0 : i32
      %dma_start3A_13 = tpu.memref_slice %arg2[%dma_start3A_11, %dma_start3A_12] : memref<512x32768xf32, #tpu.memory_space<hbm>> -> memref<512x32768xf32, #tpu.memory_space<hbm>>
      tpu.enqueue_indirect_dma source(%dma_start3A_13 : memref<512x32768xf32, #tpu.memory_space<hbm>>) target(%arg6 : memref<2x32768xf32, #tpu.memory_space<vmem>>) offsets(%dma_start3A_10 : memref<2xi32, #tpu.memory_space<vmem>>) semaphore(%run_scoped3A_8 : memref<!tpu.dma_semaphore, #tpu.memory_space<semaphore_mem>>)
      %dma_wait3A = arith.constant 0 : i32
      %dma_wait3A_14 = tpu.memref_slice %arg5[%run_scoped3A_6, %dma_wait3A] : memref<4x2xi32, #tpu.memory_space<vmem>> -> memref<1x2xi32, #tpu.memory_space<vmem>>
      %dma_wait3A_15 = tpu.memref_squeeze %dma_wait3A_14 : memref<1x2xi32, #tpu.memory_space<vmem>> -> memref<2xi32, #tpu.memory_space<vmem>>
      %dma_wait3A_16 = arith.constant 0 : i32
      %dma_wait3A_17 = arith.constant 0 : i32
      %dma_wait3A_18 = tpu.memref_slice %arg2[%dma_wait3A_16, %dma_wait3A_17] : memref<512x32768xf32, #tpu.memory_space<hbm>> -> memref<512x32768xf32, #tpu.memory_space<hbm>>
      tpu.wait_indirect_dma semaphore(%run_scoped3A_8 : memref<!tpu.dma_semaphore, #tpu.memory_space<semaphore_mem>>) src(%dma_wait3A_18 : memref<512x32768xf32, #tpu.memory_space<hbm>>) dst(%arg6 : memref<2x32768xf32, #tpu.memory_space<vmem>>)
      tpu.yield
    }) : () -> ()
    %run_scoped3A_7 = arith.constant 3 : i32
    "tpu.region"() ({
      %run_scoped3A_8 = tpu.sem_alloc : memref<!tpu.dma_semaphore, #tpu.memory_space<semaphore_mem>>
      %dma_start3A = arith.constant 0 : i32
      %dma_start3A_9 = tpu.memref_slice %arg5[%run_scoped3A_7, %dma_start3A] : memref<4x2xi32, #tpu.memory_space<vmem>> -> memref<1x2xi32, #tpu.memory_space<vmem>>
      %dma_start3A_10 = tpu.memref_squeeze %dma_start3A_9 : memref<1x2xi32, #tpu.memory_space<vmem>> -> memref<2xi32, #tpu.memory_space<vmem>>
      %dma_start3A_11 = arith.constant 0 : i32
      %dma_start3A_12 = arith.constant 0 : i32
      %dma_start3A_13 = tpu.memref_slice %arg4[%dma_start3A_11, %dma_start3A_12] : memref<512x32768xf32, #tpu.memory_space<hbm>> -> memref<512x32768xf32, #tpu.memory_space<hbm>>
      tpu.enqueue_indirect_dma source(%arg6 : memref<2x32768xf32, #tpu.memory_space<vmem>>) target(%dma_start3A_13 : memref<512x32768xf32, #tpu.memory_space<hbm>>) offsets(%dma_start3A_10 : memref<2xi32, #tpu.memory_space<vmem>>) semaphore(%run_scoped3A_8 : memref<!tpu.dma_semaphore, #tpu.memory_space<semaphore_mem>>)
      %dma_wait3A = arith.constant 0 : i32
      %dma_wait3A_14 = tpu.memref_slice %arg5[%run_scoped3A_7, %dma_wait3A] : memref<4x2xi32, #tpu.memory_space<vmem>> -> memref<1x2xi32, #tpu.memory_space<vmem>>
      %dma_wait3A_15 = tpu.memref_squeeze %dma_wait3A_14 : memref<1x2xi32, #tpu.memory_space<vmem>> -> memref<2xi32, #tpu.memory_space<vmem>>
      %dma_wait3A_16 = arith.constant 0 : i32
      %dma_wait3A_17 = arith.constant 0 : i32
      %dma_wait3A_18 = tpu.memref_slice %arg4[%dma_wait3A_16, %dma_wait3A_17] : memref<512x32768xf32, #tpu.memory_space<hbm>> -> memref<512x32768xf32, #tpu.memory_space<hbm>>
      tpu.wait_indirect_dma semaphore(%run_scoped3A_8 : memref<!tpu.dma_semaphore, #tpu.memory_space<semaphore_mem>>) src(%arg6 : memref<2x32768xf32, #tpu.memory_space<vmem>>) dst(%dma_wait3A_18 : memref<512x32768xf32, #tpu.memory_space<hbm>>)
      tpu.yield
    }) : () -> ()
    return
  }
}

module attributes {stable_mosaic.version = 14 : i64} {
  func.func @_tc_body(%arg0: i32, %arg1: memref<64xi32, #tpu.memory_space<smem>>, %arg2: memref<1x32x64x64xf32, #tpu.memory_space<vmem>>, %arg3: memref<128x32x64x64xf32, #tpu.memory_space<hbm>>, %arg4: memref<64x32x1x64xf32, #tpu.memory_space<vmem>>, %arg5: memref<64x32x1x64xf32, #tpu.memory_space<vmem>>, %arg6: memref<64x32x1x64xf32, #tpu.memory_space<vmem>>, %arg7: memref<1x32xf32, #tpu.memory_space<vmem>>, %arg8: memref<1x32x64x64xf32, #tpu.memory_space<vmem>>, %arg9: memref<64x32x1x64xf32, #tpu.memory_space<vmem>>) attributes {dimension_semantics = [#tpu.dimension_semantics<arbitrary>], iteration_bounds = array<i64: 64>, scalar_prefetch = 1 : i64, scratch_operands = 0 : i64, tpu.core_type = #tpu.core_type<tc>, window_params = [{transform_indices = @transform_0, window_bounds = array<i64: 1, 32, 64, 64>}, {}, {pipeline_mode = #tpu.pipeline_mode<synchronous>, transform_indices = @transform_2, window_bounds = array<i64: 64, 32, 1, 64>}, {pipeline_mode = #tpu.pipeline_mode<synchronous>, transform_indices = @transform_3, window_bounds = array<i64: 64, 32, 1, 64>}, {pipeline_mode = #tpu.pipeline_mode<synchronous>, transform_indices = @transform_4, window_bounds = array<i64: 64, 32, 1, 64>}, {pipeline_mode = #tpu.pipeline_mode<synchronous>, transform_indices = @transform_5, window_bounds = array<i64: 1, 32>}, {transform_indices = @transform_6, window_bounds = array<i64: 1, 32, 64, 64>}, {pipeline_mode = #tpu.pipeline_mode<synchronous>, transform_indices = @transform_7, window_bounds = array<i64: 64, 32, 1, 64>}]} {
    %get3A = arith.constant 0 : index
    %get3A_0 = arith.constant 0 : index
    %get3A_1 = vector.load %arg7[%get3A, %get3A_0] : memref<1x32xf32, #tpu.memory_space<vmem>>, vector<1x32xf32>
    %get3A_2 = vector.shape_cast %get3A_1 : vector<1x32xf32> to vector<32xf32>
    %neg3A = arith.constant 0.000000e+00 : f32
    %neg3A_3 = vector.broadcast %neg3A : f32 to vector<32xf32>
    %neg3A_4 = arith.subf %neg3A_3, %get3A_2 : vector<32xf32>
    %exp3A = math.exp %neg3A_4 : vector<32xf32>
    %get3A_5 = arith.constant 0 : index
    %get3A_6 = arith.constant 0 : index
    %get3A_7 = arith.constant 0 : index
    %get3A_8 = arith.constant 0 : index
    %get3A_9 = vector.load %arg2[%get3A_5, %get3A_6, %get3A_7, %get3A_8] : memref<1x32x64x64xf32, #tpu.memory_space<vmem>>, vector<1x32x64x64xf32>
    %get3A_10 = vector.shape_cast %get3A_9 : vector<1x32x64x64xf32> to vector<32x64x64xf32>
    %get3A_11 = arith.index_cast %arg0 : i32 to index
    %get3A_12 = arith.constant 0 : index
    %get3A_13 = arith.constant 0 : index
    %get3A_14 = arith.constant 0 : index
    %get3A_15 = vector.load %arg5[%get3A_11, %get3A_12, %get3A_13, %get3A_14] : memref<64x32x1x64xf32, #tpu.memory_space<vmem>>, vector<1x32x1x64xf32>
    %get3A_16 = vector.shape_cast %get3A_15 : vector<1x32x1x64xf32> to vector<32x64xf32>
    %get3A_17 = arith.index_cast %arg0 : i32 to index
    %get3A_18 = arith.constant 0 : index
    %get3A_19 = arith.constant 0 : index
    %get3A_20 = arith.constant 0 : index
    %get3A_21 = vector.load %arg6[%get3A_17, %get3A_18, %get3A_19, %get3A_20] : memref<64x32x1x64xf32, #tpu.memory_space<vmem>>, vector<1x32x1x64xf32>
    %get3A_22 = vector.shape_cast %get3A_21 : vector<1x32x1x64xf32> to vector<32x64xf32>
    %get3A_23 = arith.index_cast %arg0 : i32 to index
    %get3A_24 = arith.constant 0 : index
    %get3A_25 = arith.constant 0 : index
    %get3A_26 = arith.constant 0 : index
    %get3A_27 = vector.load %arg4[%get3A_23, %get3A_24, %get3A_25, %get3A_26] : memref<64x32x1x64xf32, #tpu.memory_space<vmem>>, vector<1x32x1x64xf32>
    %get3A_28 = vector.shape_cast %get3A_27 : vector<1x32x1x64xf32> to vector<32x64xf32>
    %broadcast_in_dim3A = vector.shape_cast %get3A_16 : vector<32x64xf32> to vector<32x64x1xf32>
    %broadcast_in_dim3A_29 = vector.shape_cast %get3A_22 : vector<32x64xf32> to vector<32x1x64xf32>
    %mul3A = vector.broadcast %broadcast_in_dim3A : vector<32x64x1xf32> to vector<32x64x64xf32>
    %mul3A_30 = vector.broadcast %broadcast_in_dim3A_29 : vector<32x1x64xf32> to vector<32x64x64xf32>
    %mul3A_31 = arith.mulf %mul3A, %mul3A_30 : vector<32x64x64xf32>
    %broadcast_in_dim3A_32 = vector.shape_cast %exp3A : vector<32xf32> to vector<32x1x1xf32>
    %mul3A_33 = vector.broadcast %broadcast_in_dim3A_32 : vector<32x1x1xf32> to vector<32x64x64xf32>
    %mul3A_34 = arith.mulf %mul3A_33, %get3A_10 : vector<32x64x64xf32>
    %add3A = arith.addf %mul3A_31, %mul3A_34 : vector<32x64x64xf32>
    %swap3A = arith.constant 0 : index
    %swap3A_35 = arith.constant 0 : index
    %swap3A_36 = arith.constant 0 : index
    %swap3A_37 = arith.constant 0 : index
    %swap3A_38 = vector.load %arg8[%swap3A, %swap3A_35, %swap3A_36, %swap3A_37] : memref<1x32x64x64xf32, #tpu.memory_space<vmem>>, vector<1x32x64x64xf32>
    %swap3A_39 = vector.shape_cast %swap3A_38 : vector<1x32x64x64xf32> to vector<32x64x64xf32>
    %swap3A_40 = vector.shape_cast %add3A : vector<32x64x64xf32> to vector<1x32x64x64xf32>
    tpu.vector_store %arg8[%swap3A, %swap3A_35, %swap3A_36, %swap3A_37], %swap3A_40 {strides = array<i32>} : memref<1x32x64x64xf32, #tpu.memory_space<vmem>>, vector<1x32x64x64xf32>,
    %broadcast_in_dim3A_41 = vector.shape_cast %get3A_28 : vector<32x64xf32> to vector<32x64x1xf32>
    %mul3A_42 = vector.broadcast %broadcast_in_dim3A_41 : vector<32x64x1xf32> to vector<32x64x64xf32>
    %mul3A_43 = arith.mulf %mul3A_42, %add3A : vector<32x64x64xf32>
    %reduce_sum3A = arith.constant dense<0.000000e+00> : vector<32x64xf32>
    %reduce_sum3A_44 = vector.multi_reduction <add>, %mul3A_43, %reduce_sum3A [1] : vector<32x64x64xf32> to vector<32x64xf32>
    %swap3A_45 = arith.index_cast %arg0 : i32 to index
    %swap3A_46 = arith.constant 0 : index
    %swap3A_47 = arith.constant 0 : index
    %swap3A_48 = arith.constant 0 : index
    %swap3A_49 = vector.load %arg9[%swap3A_45, %swap3A_46, %swap3A_47, %swap3A_48] : memref<64x32x1x64xf32, #tpu.memory_space<vmem>>, vector<1x32x1x64xf32>
    %swap3A_50 = vector.shape_cast %swap3A_49 : vector<1x32x1x64xf32> to vector<32x64xf32>
    %swap3A_51 = vector.shape_cast %reduce_sum3A_44 : vector<32x64xf32> to vector<1x32x1x64xf32>
    tpu.vector_store %arg9[%swap3A_45, %swap3A_46, %swap3A_47, %swap3A_48], %swap3A_51 {strides = array<i32>} : memref<64x32x1x64xf32, #tpu.memory_space<vmem>>, vector<1x32x1x64xf32>,
    return
  }
  func.func @transform_0(%arg0: i32, %arg1: memref<64xi32, #tpu.memory_space<smem>>) -> (i32, i32, i32, i32) {
    %get3A = arith.index_cast %arg0 : i32 to index
    %get3A_0 = memref.load %arg1[%get3A] : memref<64xi32, #tpu.memory_space<smem>>
    %c0_i32 = arith.constant 0 : i32
    %c0_i32_1 = arith.constant 0 : i32
    %c0_i32_2 = arith.constant 0 : i32
    %c0_i32_3 = arith.constant 0 : i32
    return %get3A_0, %c0_i32, %c0_i32_1, %c0_i32_2 : i32, i32, i32, i32
  }
  func.func @transform_2(%arg0: i32, %arg1: memref<64xi32, #tpu.memory_space<smem>>) -> (i32, i32, i32, i32) {
    %c0_i32 = arith.constant 0 : i32
    %c0_i32_0 = arith.constant 0 : i32
    %c0_i32_1 = arith.constant 0 : i32
    %c0_i32_2 = arith.constant 0 : i32
    %c0_i32_3 = arith.constant 0 : i32
    return %c0_i32, %c0_i32_0, %c0_i32_1, %c0_i32_2 : i32, i32, i32, i32
  }
  func.func @transform_3(%arg0: i32, %arg1: memref<64xi32, #tpu.memory_space<smem>>) -> (i32, i32, i32, i32) {
    %c0_i32 = arith.constant 0 : i32
    %c0_i32_0 = arith.constant 0 : i32
    %c0_i32_1 = arith.constant 0 : i32
    %c0_i32_2 = arith.constant 0 : i32
    %c0_i32_3 = arith.constant 0 : i32
    return %c0_i32, %c0_i32_0, %c0_i32_1, %c0_i32_2 : i32, i32, i32, i32
  }
  func.func @transform_4(%arg0: i32, %arg1: memref<64xi32, #tpu.memory_space<smem>>) -> (i32, i32, i32, i32) {
    %c0_i32 = arith.constant 0 : i32
    %c0_i32_0 = arith.constant 0 : i32
    %c0_i32_1 = arith.constant 0 : i32
    %c0_i32_2 = arith.constant 0 : i32
    %c0_i32_3 = arith.constant 0 : i32
    return %c0_i32, %c0_i32_0, %c0_i32_1, %c0_i32_2 : i32, i32, i32, i32
  }
  func.func @transform_5(%arg0: i32, %arg1: memref<64xi32, #tpu.memory_space<smem>>) -> (i32, i32) {
    %c0_i32 = arith.constant 0 : i32
    %c0_i32_0 = arith.constant 0 : i32
    %c0_i32_1 = arith.constant 0 : i32
    return %c0_i32, %c0_i32_0 : i32, i32
  }
  func.func @transform_6(%arg0: i32, %arg1: memref<64xi32, #tpu.memory_space<smem>>) -> (i32, i32, i32, i32) {
    %get3A = arith.index_cast %arg0 : i32 to index
    %get3A_0 = memref.load %arg1[%get3A] : memref<64xi32, #tpu.memory_space<smem>>
    %c0_i32 = arith.constant 0 : i32
    %c0_i32_1 = arith.constant 0 : i32
    %c0_i32_2 = arith.constant 0 : i32
    %c0_i32_3 = arith.constant 0 : i32
    return %get3A_0, %c0_i32, %c0_i32_1, %c0_i32_2 : i32, i32, i32, i32
  }
  func.func @transform_7(%arg0: i32, %arg1: memref<64xi32, #tpu.memory_space<smem>>) -> (i32, i32, i32, i32) {
    %c0_i32 = arith.constant 0 : i32
    %c0_i32_0 = arith.constant 0 : i32
    %c0_i32_1 = arith.constant 0 : i32
    %c0_i32_2 = arith.constant 0 : i32
    %c0_i32_3 = arith.constant 0 : i32
    return %c0_i32, %c0_i32_0, %c0_i32_1, %c0_i32_2 : i32, i32, i32, i32
  }
}

</mosaic_0001>

<sc_bundles>
// kernel: kernel.4.cloned.1.call-start
scs
__scs_entry_jumppad:
0x0: {  	(pc) =	sbr.rel $0x88, $3  }
0x1: {  	(tag) =	ssettag $0x0;
	lr =	simm.s32 $0x1  }
0x2: {  	[smem:$0x3F9B] =	sst lr;
	_ =	strace $0xD0000000  }
0x3: {  	_ = 	snop  }
0x4: {  	_ = 	snop  }
0x5: {  	_ = 	snop  }
0x6: {  	_ = 	snop  }
0x7: {  	_ = 	snop  }
__scs_overlays_trampoline_lowered:
0x8: {  	[smem:$0x3FAA] =	sst s0  }
0x9: {  	[smem:$0x3FAB] =	sst s1  }
0xa: {  	[smem:$0x3FAC] =	sst s2  }
0xb: {  	[smem:$0x3FAD] =	sst s3  }
0xc: {  	[smem:$0x3FAE] =	sst s4  }
0xd: {  	[smem:$0x3FAF] =	sst s5  }
0xe: {  	[smem:$0x3FB0] =	sst s6  }
0xf: {  	[smem:$0x3FB1] =	sst s7  }
0x10: {  	[smem:$0x3FB2] =	sst s8  }
0x11: {  	[smem:$0x3FB3] =	sst s9;
	s0 =	simm.s32 @!p0 $0x0  }
0x12: {  	s1 =	sld [smem:$0x3F99];
	s0 =	simm.s32 @p0 $0x1  }
0x13: {  	[smem:$0x3FB4] =	sst s0;
	s0 =	simm.s32 @!p1 $0x0  }
0x14: {  	s2 =	sld [smem:$0x3F98];
	s0 =	simm.s32 @p1 $0x1  }
0x15: {  	[smem:$0x3FB5] =	sst s0;
	s0 =	simm.s32 @!p2 $0x0  }
0x16: {  	s3 =	sld [smem:$0x3FDB];
	s0 =	simm.s32 @p2 $0x1  }
0x17: {  	s4 =	simm.s32 $0x1BF5;
	[smem:$0x3FB7] =	sst s0  }
0x18: {  	s0 =	sld [smem:$0x3F9A];
	_ =	swait.ge [sflag:s4], $0x0  }
0x19: {  	s7 =	sld [smem:$0x3F9B]  }
0x1a: {  	s8 =	sadd.s32 $0xFFFFE003, lr  }
0x1b: {  	s9 =	sadd.s32 $0xFFFFFEF7, lr;
	s5 =	simm.s32 $0xFFFFFFFF;
	p2 =	slt.u32 s8, $0xFFFFF086  }
0x1c: {  	p1 =	slt.u32 s9, $0xF7A;
	s5 =	simm.s32 @!p2 $0x0  }
0x1d: {  	s5 =	simm.s32 @p1 $0x1;
	p0 =	seq.s32 s7, s2  }
0x1e: {  	s7 =	smul.u32 @!p0 $0xF7A, s2;
	p2 =	seq.s32 @!p0 s5, $0x0  }
0x1f: {  	s9 =	smul.u32 $0xF7A, s1;
	s8 =	simm.s32 @!p0 $0x1BF5;
	p2 =	por !p2, p0  }
0x20: {  	[sflag:s8] =	ssyncset.s32 @!p0 $0xFFFFF086;
	s6 =	sadd.s32 @!p0 s3, s7;
	s7 =	simm.s32 @!p0 $0x108  }
0x21: {  	s3 =	sadd.s32 s3, s9;
	s6 =	sadd.s32 @!p0 $0x88, s6;
	s7 =	simm.s32 @p2 $0x1082  }
0x22: {  	[simem:s7], [sflag:s8] =	dma.local @!p0 [hbm:s6], $0xF7A  }
0x23: {  	s9 =	sor.u32 $0xD0000000, s2;
	s6 =	simm.s32 $0x108;
	_ =	swait.ge @!p0 [sflag:s8], $0x0  }
0x24: {  	s3 =	sadd.s32 $0x88, s3;
	s6 =	simm.s32 @!p1 $0x1082;
	[sflag:s4] =	ssyncset.s32 $0xFFFFF086  }
0x25: {  	[simem:s6], [sflag:s4] =	dma.local [hbm:s3], $0xF7A  }
0x26: {  	[smem:$0x3F9B] =	sst s1;
	(tag) =	ssettag s2;
	_ =	strace s9  }
0x27: {  	s1 =	sld [smem:$0x3FAB]  }
0x28: {  	s2 =	sld [smem:$0x3FAC]  }
0x29: {  	s4 =	sld [smem:$0x3FAE]  }
0x2a: {  	p0 =	seq.s32 s5, $0x0;
	s5 =	sld [smem:$0x3FAF]  }
0x2b: {  	s6 =	sld [smem:$0x3FB0]  }
0x2c: {  	s7 =	sld [smem:$0x3FB1]  }
0x2d: {  	s3 =	simm.s32 $0x108;
	s8 =	sld [smem:$0x3FB2]  }
0x2e: {  	s3 =	simm.s32 @!p0 $0x1082;
	s9 =	sld [smem:$0x3FB3]  }
0x2f: {  	lr =	sadd.s32 s0, s3;
	s0 =	sld [smem:$0x3FAA]  }
0x30: {  	s3 =	sld [smem:$0x3FAD]  }
0x31: {  	[smem:$0x3FB6] =	sst s10  }
0x32: {  	s10 =	sld [smem:$0x3FB4];
	_ =	sdelay $0x3  }
0x33: {  	p0 =	seq.s32 s10, $0x1;
	s10 =	sld [smem:$0x3FB6];
	_ =	sdelay $0x3  }
0x34: {  	[smem:$0x3FB6] =	sst s10  }
0x35: {  	s10 =	sld [smem:$0x3FB5];
	_ =	sdelay $0x3  }
0x36: {  	p1 =	seq.s32 s10, $0x1;
	s10 =	sld [smem:$0x3FB6];
	_ =	sdelay $0x3  }
0x37: {  	[smem:$0x3FB6] =	sst s10  }
0x38: {  	s10 =	sld [smem:$0x3FB7]  }
0x39: {  	_ = 	snop;
	(pc) =	sbr.ind lr, $3  }
0x3a: {  	_ = 	snop  }
0x3b: {  	_ = 	snop  }
0x3c: {  	p2 =	seq.s32 s10, $0x1;
	s10 =	sld [smem:$0x3FB6]  }
0x3d: {  	_ =	shalt  }
0x3e: {  	_ =	shalt  }
0x3f: {  	_ =	shalt  }
0x40: {  	_ =	shalt  }
0x41: {  	_ =	shalt  }
0x42: {  	_ =	shalt  }
0x43: {  	_ =	shalt  }
0x44: {  	_ =	shalt  }
0x45: {  	_ =	shalt  }
0x46: {  	_ =	shalt  }
0x47: {  	_ =	shalt  }
0x48: {  	_ =	shalt  }
0x49: {  	_ =	shalt  }
0x4a: {  	_ =	shalt  }
0x4b: {  	_ =	shalt  }
0x4c: {  	_ =	shalt  }
0x4d: {  	_ =	shalt  }
0x4e: {  	_ =	shalt  }
0x4f: {  	_ =	shalt  }
0x50: {  	_ =	shalt  }
0x51: {  	_ =	shalt  }
0x52: {  	_ =	shalt  }
0x53: {  	_ =	shalt  }
0x54: {  	_ =	shalt  }
0x55: {  	_ =	shalt  }
0x56: {  	_ =	shalt  }
0x57: {  	_ =	shalt  }
0x58: {  	_ =	shalt  }
0x59: {  	_ =	shalt  }
0x5a: {  	_ =	shalt  }
0x5b: {  	_ =	shalt  }
0x5c: {  	_ =	shalt  }
0x5d: {  	_ =	shalt  }
0x5e: {  	_ =	shalt  }
0x5f: {  	_ =	shalt  }
0x60: {  	_ =	shalt  }
0x61: {  	_ =	shalt  }
0x62: {  	_ =	shalt  }
0x63: {  	_ =	shalt  }
0x64: {  	_ =	shalt  }
0x65: {  	_ =	shalt  }
0x66: {  	_ =	shalt  }
0x67: {  	_ =	shalt  }
0x68: {  	_ =	shalt  }
0x69: {  	_ =	shalt  }
0x6a: {  	_ =	shalt  }
0x6b: {  	_ =	shalt  }
0x6c: {  	_ =	shalt  }
0x6d: {  	_ =	shalt  }
0x6e: {  	_ =	shalt  }
0x6f: {  	_ =	shalt  }
0x70: {  	_ =	shalt  }
0x71: {  	_ =	shalt  }
0x72: {  	_ =	shalt  }
0x73: {  	_ =	shalt  }
0x74: {  	_ =	shalt  }
0x75: {  	_ =	shalt  }
0x76: {  	_ =	shalt  }
0x77: {  	_ =	shalt  }
0x78: {  	_ =	shalt  }
0x79: {  	_ =	shalt  }
0x7a: {  	_ =	shalt  }
0x7b: {  	_ =	shalt  }
0x7c: {  	_ =	shalt  }
0x7d: {  	_ =	shalt  }
0x7e: {  	_ =	shalt  }
0x7f: {  	_ =	shalt  }
0x80: {  	_ =	shalt  }
0x81: {  	_ =	shalt  }
0x82: {  	_ =	shalt  }
0x83: {  	_ =	shalt  }
0x84: {  	_ =	shalt  }
0x85: {  	_ =	shalt  }
0x86: {  	_ =	shalt  }
0x87: {  	_ =	shalt  }
.Lfunc_end0:
.L_simem_size_0:
called_computation_lowered:
.L_overlay_start_0:
0x88: {  	s2 =	sld [smem:$0x3FD9]  }
0x89: {  	s3 =	sld [smem:$0x3FFE];
	_ =	sdelay $0x1  }
0x8a: {  	s1 =	srdreg.scid  }
0x8b: {  	s0 =	sand.u32 $0x1, s1  }
0x8c: {  	s14 =	sshll.u32 s0, $0xA;
	s2 =	sadd.s32 s3, s2  }
0x8d: {  	s2 =	sadd.s32 s2, s14  }
0x8e: {  	[smem:$0x3FC2] =	sst s2  }
0x8f: {  	_ = 	snop  }
0x90: {  	s2 =	sld [smem:$0x3FD0];
	_ =	sdelay $0x2  }
0x91: {  	s15 =	simm.s32 $0xA;
	s4 =	simm.s32 $0x10  }
0x92: {  	[smem:s4], [sflag:s15] =	dma.local [hbm:s2], $0x1  }
0x93: {  	_ =	swait.eq [sflag:s15], $0x1  }
0x94: {  	[sflag:s15] =	ssyncset.done $0x0  }
0x95: {  	s16 =	sld [smem:$0x10];
	[sflag:s15] =	ssyncadd.s32 $0xFFFFFFFF  }
0x96: {  	s17 =	sld [smem:$0x11];
	(tm) =	ssettm $0x1  }
0x97: {  	s18 =	sld [smem:$0x3FFB];
	_ =	sdelay $0x3  }
0x98: {  	_ =	strace s18  }
0x99: {  	s4 =	sld [smem:$0x3FFC];
	_ =	sdelay $0x3  }
0x9a: {  	_ =	strace s4  }
0x9b: {  	s4 =	sld [smem:$0x3FFD];
	_ =	sdelay $0x3  }
0x9c: {  	_ =	strace s4  }
0x9d: {  	_ =	strace $0x8FFFFFFF  }
0x9e: {  	s19 =	sld [smem:$0x3FDB];
	_ =	sdelay $0x1  }
0x9f: {  	s5 =	simm.s32 $_scs_section_size  }
0xa0: {  	s6 =	simm.s32 $_size__tile_overlayer_lowered;
	s7 =	simm.s32 $_tile_overlayer_lowered  }
0xa1: {  	s22 =	simm.s32 $0x1BFF;
	s21 =	sshll.u32 s7, $0x1;
	s4 =	sadd.s32 s5, s19  }
0xa2: {  	s8 =	simm.s32 $0x0;
	s20 =	sshll.u32 s6, $0x1;
	s6 =	sadd.s32 s21, s4  }
0xa3: {  	[timem:s8], [sflag:s22] =	dma.local [hbm:s6], s20  }
0xa4: {  	_ =	swait.ge [sflag:s22], s20  }
0xa5: {  	s5 =	ssub.s32 $0x0, s20;
	[sflag:s22] =	ssyncset.done $0x0  }
0xa6: {  	[sflag:s22] =	ssyncadd.s32 s5;
	_ =	sdelay $0x1  }
0xa7: {  	s23 =	simm.s32 $0x1B8B  }
0xa8: {  	_ =	swait.ge [sflag:s23], $0x1  }
0xa9: {  	[sflag:s23] =	ssyncset.done $0x0  }
0xaa: {  	s25 =	simm.s32 $0x1B8E;
	s24 =	sld [smem:$0x3FFE];
	[sflag:s23] =	ssyncadd.s32 $0xFFFFFFFF  }
0xab: {  	s26 =	simm.s32 $execute0_lowered;
	[smem:$0x3FD2] =	sst s25  }
0xac: {  	s6 =	sshll.u32 s26, $0x1;
	_ =	strace $0x80000046;
	[dreg:$0x1] =	wrdreg $0xFFFFFFFF  }
0xad: {  	s28 =	simm.s32 $_size_execute0_lowered;
	s4 =	sadd.s32 s4, s6;
	[dreg:$0x0] =	wrdreg $0x0  }
0xae: {  	s6 =	sshll.u32 s28, $0x1;
	[dreg:$0x2] =	wrdreg s4  }
0xaf: {  	[dreg:$0x3] =	wrdreg s6  }
0xb0: {  	[dreg:$0x4] =	wrdreg $0xC0  }
0xb1: {  	_ =	task [dreg:s8], $0x5FFFF  }
0xb2: {  	[dreg:$0x1] =	wrdreg $0xFFFFFFFF  }
0xb3: {  	[dreg:$0x0] =	wrdreg $0x60  }
0xb4: {  	[dreg:$0x2] =	wrdreg s17  }
0xb5: {  	[dreg:$0x3] =	wrdreg s16  }
0xb6: {  	[dreg:$0x4] =	wrdreg s24  }
0xb7: {  	[dreg:$0x5] =	wrdreg $0x9  }
0xb8: {  	_ =	task.clear_ibuf [dreg:s8], $0x6FFFF;
	_ =	strace $0x90000046  }
0xb9: {  	s29 =	simm.s32 $0x9;
	_ =	strace $0x80000048  }
0xba: {  	_ =	swait.ge [sflag:s29], $0x1  }
0xbb: {  	[sflag:s29] =	ssyncadd.s32 $0xFFFFFFFF  }
0xbc: {  	_ =	strace $0x90000048  }
0xbd: {  	_ =	sfence  }
0xbe: {  	s30 =	sld [smem:$0x0];
	_ =	sdelay $0x2  }
0xbf: {  	s31 =	sshll.u32 s1, $0xD;
	s1 =	sshrl.u32 s1, $0x2  }
0xc0: {  	s3 =	sand.u32 $0x4000, s31;
	s1 =	sadd.s32 s1, s30  }
0xc1: {  	s0 =	sor.u32 s3, s0;
	s1 =	sshll.u32 s1, $0x11  }
0xc2: {  	s0 =	sor.u32 s1, s0  }
0xc3: {  	s0 =	sadd.s32 $0x8F2B, s0  }
0xc4: {  	[sflag:s0] =	ssyncadd.remote.s32 $0x1  }
0xc5: {  	_ =	sfence.sel $0xFFFF  }
0xc6: {  	[dreg:$0x0] =	wrdreg $0xFFFFFFFF;
	(pc) =	sbr.abs _section_cstart, $3  }
0xc7: {  	[dreg:$0x1] =	wrdreg $0xFFFFFFFF  }
0xc8: {  	_ =	task.clear_ibuf [dreg:s8], $0x2FFFF;
	_ =	strace $0x9FFFFFFF  }
0xc9: {  	(tm) =	ssettm $0x7FFFFFFF  }
tec
execute0_lowered:
.L_overlay_start_1:
0x0: {  	(tag) =	ssettag $0x1  }
0x1: {  	s7 =	rddreg [dreg:$0x0]  }
0x2: {  	s0 =	rddreg [dreg:$0x1]  }
0x3: {  	s1 =	rddreg [dreg:$0x2];
	s2 =	simm.s32 $0x0  }
0x4: {  	[smem:$0x7FF] =	sst s2;
	s3 =	sadd.s32 $0x400000, s1  }
0x5: {  	s4 =	sadd.s32 $0x400400, s1;
	_ =	strace $0x80000047;
	[dreg:$0x5] =	wrdreg s3  }
0x6: {  	s19 =	sadd.s32 $0x400800, s1;
	[dreg:$0x6] =	wrdreg s4  }
0x7: {  	s20 =	sadd.s32 $0x400C00, s1;
	[dreg:$0x7] =	wrdreg s19  }
0x8: {  	s21 =	sadd.s32 $0x401000, s1;
	[dreg:$0x8] =	wrdreg s20  }
0x9: {  	s22 =	sadd.s32 $0x401400, s1;
	[dreg:$0x9] =	wrdreg s21  }
0xa: {  	s5 =	sadd.s32 $0x401800, s1;
	[dreg:$0xa] =	wrdreg s22  }
0xb: {  	s24 =	sadd.s32 $0x401C00, s1;
	[dreg:$0xb] =	wrdreg s5  }
0xc: {  	s8 =	sadd.s32 $0x402400, s1;
	[dreg:$0xc] =	wrdreg s24  }
0xd: {  	s26 =	sadd.s32 $0x402800, s1;
	[dreg:$0xd] =	wrdreg s8  }
0xe: {  	s28 =	sadd.s32 $0x402000, s1;
	[dreg:$0xe] =	wrdreg s26  }
0xf: {  	s29 =	sadd.s32 $0x402C00, s1;
	[dreg:$0xf] =	wrdreg s28  }
0x10: {  	s30 =	sadd.s32 $0x403000, s1;
	[dreg:$0x10] =	wrdreg s29  }
0x11: {  	s31 =	sadd.s32 $0x403400, s1;
	[dreg:$0x11] =	wrdreg s30  }
0x12: {  	s9 =	sadd.s32 $0x403C00, s1;
	[dreg:$0x12] =	wrdreg s31  }
0x13: {  	s10 =	sadd.s32 $0x404400, s1;
	[dreg:$0x14] =	wrdreg s9  }
0x14: {  	s11 =	sadd.s32 $0x404800, s1;
	[dreg:$0x15] =	wrdreg s10  }
0x15: {  	s12 =	sadd.s32 $0x404C00, s1;
	[dreg:$0x16] =	wrdreg s11  }
0x16: {  	s13 =	sadd.s32 $0x404000, s1;
	[dreg:$0x17] =	wrdreg s12  }
0x17: {  	s14 =	sadd.s32 $0x405000, s1;
	[dreg:$0x18] =	wrdreg s13  }
0x18: {  	s15 =	sadd.s32 $0x405400, s1;
	[dreg:$0x19] =	wrdreg s14  }
0x19: {  	s6 =	stileid.u32;
	s17 =	sadd.s32 $0x405800, s1;
	[dreg:$0x1a] =	wrdreg s15  }
0x1a: {  	s16 =	sshll.u32 s6, $0x7;
	s6 =	sadd.s32 $0x2000, s7;
	[dreg:$0x1b] =	wrdreg s17  }
0x1b: {  	s18 =	srdreg.scid;
	s8 =	sadd.s32 $0x403800, s1;
	[smem:$0x7E6] =	sst s6  }
0x1c: {  	s3 =	sand.u32 $0x1, s18;
	s18 =	sadd.s32 $0x405C00, s1;
	[dreg:$0x13] =	wrdreg s8  }
0x1d: {  	s19 =	sadd.s32 $0x406400, s1;
	[dreg:$0x1c] =	wrdreg s18  }
0x1e: {  	s20 =	sadd.s32 $0x406800, s1;
	[dreg:$0x1d] =	wrdreg s19  }
0x1f: {  	s21 =	sadd.s32 $0x406000, s1;
	[dreg:$0x1e] =	wrdreg s20  }
0x20: {  	s22 =	sadd.s32 $0x406C00, s1;
	[dreg:$0x1f] =	wrdreg s21  }
0x21: {  	s24 =	sadd.s32 $0x407400, s1;
	[smem:$0x7DA] =	sst s22  }
0x22: {  	s26 =	sadd.s32 $0x407C00, s1;
	[smem:$0x7DC] =	sst s24  }
0x23: {  	s28 =	sadd.s32 $0x400, s7;
	[smem:$0x7DE] =	sst s26  }
0x24: {  	s29 =	sadd.s32 $0x800, s7;
	[smem:$0x7DF] =	sst s28  }
0x25: {  	s30 =	sadd.s32 $0xC00, s7;
	[smem:$0x7E0] =	sst s29  }
0x26: {  	s31 =	sadd.s32 $0x1000, s7;
	[smem:$0x7E1] =	sst s30  }
0x27: {  	s5 =	sadd.s32 $0x1C00, s7;
	[smem:$0x7E2] =	sst s31  }
0x28: {  	s9 =	sadd.s32 $0x2800, s7;
	[smem:$0x7E5] =	sst s5  }
0x29: {  	s10 =	sadd.s32 $0x2C00, s7;
	[smem:$0x7E8] =	sst s9  }
0x2a: {  	s11 =	sadd.s32 $0x3000, s7;
	[smem:$0x7E9] =	sst s10  }
0x2b: {  	s12 =	sadd.s32 $0x3400, s7;
	[smem:$0x7EA] =	sst s11  }
0x2c: {  	s13 =	sadd.s32 $0x3800, s7;
	[smem:$0x7EB] =	sst s12  }
0x2d: {  	s14 =	sadd.s32 $0x3C00, s7;
	[smem:$0x7EC] =	sst s13  }
0x2e: {  	s15 =	sadd.s32 $0x4000, s7;
	[smem:$0x7ED] =	sst s14  }
0x2f: {  	s17 =	sadd.s32 $0x4800, s7;
	[smem:$0x7EE] =	sst s15  }
0x30: {  	s8 =	sadd.s32 $0x2400, s7;
	[smem:$0x7F0] =	sst s17  }
0x31: {  	s18 =	sadd.s32 $0x4C00, s7;
	[smem:$0x7E7] =	sst s8  }
0x32: {  	s19 =	sadd.s32 $0x5000, s7;
	[smem:$0x7F1] =	sst s18  }
0x33: {  	s20 =	sadd.s32 $0x5400, s7;
	[smem:$0x7F2] =	sst s19  }
0x34: {  	s21 =	sadd.s32 $0x5800, s7;
	[smem:$0x7F3] =	sst s20  }
0x35: {  	s22 =	sadd.s32 $0x5C00, s7;
	[smem:$0x7F4] =	sst s21  }
0x36: {  	s24 =	sadd.s32 $0x6400, s7;
	[smem:$0x7F5] =	sst s22  }
0x37: {  	s26 =	sadd.s32 $0x6C00, s7;
	[smem:$0x7F7] =	sst s24  }
0x38: {  	s28 =	sadd.s32 $0x7000, s7;
	[smem:$0x7F9] =	sst s26  }
0x39: {  	s23 =	ssub.s32 $0x2, s3;
	s29 =	sadd.s32 $0x7400, s7;
	[smem:$0x7FA] =	sst s28  }
0x3a: {  	s3 =	sshll.u32 s3, $0x6;
	s30 =	sadd.s32 $0x7800, s7;
	[smem:$0x7FB] =	sst s29  }
0x3b: {  	s31 =	sadd.s32 $0x7C00, s7;
	s25 =	sshrl.u32 s23, $0x1;
	[smem:$0x7FC] =	sst s30  }
0x3c: {  	s0 =	sadd.s32 s0, s3;
	s3 =	sadd.s32 $0x1400, s7;
	[smem:$0x7FD] =	sst s31  }
0x3d: {  	s4 =	ssub.s32 s23, s25;
	s23 =	sadd.s32 $0x407000, s1;
	[smem:$0x7E3] =	sst s3  }
0x3e: {  	s0 =	sadd.s32 s16, s0;
	[smem:$0x7DB] =	sst s23  }
0x3f: {  	s25 =	sadd.s32 $0x407800, s1;
	[dreg:$0x4] =	wrdreg s0  }
0x40: {  	s16 =	sadd.s32 $0x4400, s7;
	[smem:$0x7DD] =	sst s25  }
0x41: {  	s0 =	smax.u32 s4, $0x1;
	s4 =	sadd.s32 $0x1800, s7;
	[smem:$0x7EF] =	sst s16  }
0x42: {  	v0 =	vlaneseq.u32;
	s23 =	sadd.s32 $0x6000, s7;
	[smem:$0x7E4] =	sst s4  }
0x43: {  	v1 =	vshrl.u32 v0, $0x1;
	s25 =	sadd.s32 $0x6800, s7;
	[smem:$0x7F6] =	sst s23  }
0x44: {  	vm0 =	vmmov $0xffff;
	v0 =	vand.u32 $0x1, v0;
	v1 =	vmul.u32 $0x8, v1;
	[smem:$0x7F8] =	sst s25  }
.LBB2_1:
0x45: {  	[smem:$0x7D9] =	sst s0  }
0x46: {  	s14 =	rddreg [dreg:$0x4];
	s10 =	simm.s32 $0x1  }
0x47: {  	[tilespmem:s2], [sflag:$0x1] =	stream.linear.gather [hbm4b:s14+s2], $0x200, $0x38;
	[tilespmem:$0x10200] =	vst v63  }
0x48: {  	_ =	swait.ge [sflag:s10], $0x200  }
0x49: {  	[sflag:s10] =	ssyncset.done $0x0  }
0x4a: {  	[sflag:s10] =	ssyncadd.s32 $0xFFFFFE00  }
0x4b: {  	v2 =	vld.msk [tilespmem:$0x0], $0x3;
	_ =	sdelay $0x4  }
0x4c: {  	v3 =	vshll.u32 v2, $0x8  }
0x4d: {  	v2 =	vand.u32 $0x7, v2;
	v3 =	vand.u32 $0xFFFFF800, v3  }
0x4e: {  	v2 =	vor.u32 v2, v3  }
0x4f: {  	v2 =	vperm.xlane v2, v0;
	_ =	sdelay $0x1  }
0x50: {  	v2 =	vadd.s32 v1, v2;
	_ =	sdelay $0x2  }
0x51: {  	s1 =	sld [smem:$0x7DF]  }
0x52: {  	s12 =	simm.s32 $0x200;
	s11 =	rddreg [dreg:$0x0]  }
0x53: {  	[tilespmem:s12], [sflag:$0x1] =	stream.indirect_vreg.gather [hbm4b:s11+s2], $0x80, v2, vm0, $0xb8;
	[tilespmem:$0x10200] =	vst v63  }
0x54: {  	s13 =	simm.s32 $0xA00;
	s14 =	sld [smem:$0x7E0]  }
0x55: {  	[tilespmem:s13], [sflag:$0x1] =	stream.indirect_vreg.gather [hbm4b:s1+s2], $0x80, v2, vm0, $0xb8;
	[tilespmem:$0x10200] =	vst v63  }
0x56: {  	s15 =	simm.s32 $0x1200;
	s17 =	sld [smem:$0x7E1]  }
0x57: {  	[tilespmem:s15], [sflag:$0x1] =	stream.indirect_vreg.gather [hbm4b:s14+s2], $0x80, v2, vm0, $0xb8;
	[tilespmem:$0x10200] =	vst v63  }
0x58: {  	s18 =	simm.s32 $0x1A00;
	s19 =	sld [smem:$0x7E2]  }
0x59: {  	[tilespmem:s18], [sflag:$0x1] =	stream.indirect_vreg.gather [hbm4b:s17+s2], $0x80, v2, vm0, $0xb8;
	[tilespmem:$0x10200] =	vst v63  }
0x5a: {  	s20 =	simm.s32 $0x2200;
	s21 =	sld [smem:$0x7E3]  }
0x5b: {  	[tilespmem:s20], [sflag:$0x1] =	stream.indirect_vreg.gather [hbm4b:s19+s2], $0x80, v2, vm0, $0xb8;
	[tilespmem:$0x10200] =	vst v63  }
0x5c: {  	s22 =	simm.s32 $0x2A00;
	s23 =	sld [smem:$0x7E4]  }
0x5d: {  	[tilespmem:s22], [sflag:$0x1] =	stream.indirect_vreg.gather [hbm4b:s21+s2], $0x80, v2, vm0, $0xb8;
	[tilespmem:$0x10200] =	vst v63  }
0x5e: {  	s24 =	simm.s32 $0x3200;
	s25 =	sld [smem:$0x7E5]  }
0x5f: {  	[tilespmem:s24], [sflag:$0x1] =	stream.indirect_vreg.gather [hbm4b:s23+s2], $0x80, v2, vm0, $0xb8;
	[tilespmem:$0x10200] =	vst v63  }
0x60: {  	s26 =	simm.s32 $0x3A00;
	s28 =	sld [smem:$0x7E6]  }
0x61: {  	[tilespmem:s26], [sflag:$0x1] =	stream.indirect_vreg.gather [hbm4b:s25+s2], $0x80, v2, vm0, $0xb8;
	[tilespmem:$0x10200] =	vst v63  }
0x62: {  	s29 =	simm.s32 $0x4200;
	s30 =	sld [smem:$0x7E7]  }
0x63: {  	[tilespmem:s29], [sflag:$0x1] =	stream.indirect_vreg.gather [hbm4b:s28+s2], $0x80, v2, vm0, $0xb8;
	[tilespmem:$0x10200] =	vst v63  }
0x64: {  	s31 =	simm.s32 $0x4A00;
	s5 =	sld [smem:$0x7E8]  }
0x65: {  	[tilespmem:s31], [sflag:$0x1] =	stream.indirect_vreg.gather [hbm4b:s30+s2], $0x80, v2, vm0, $0xb8;
	[tilespmem:$0x10200] =	vst v63  }
0x66: {  	s6 =	simm.s32 $0x5200;
	s7 =	sld [smem:$0x7E9]  }
0x67: {  	[tilespmem:s6], [sflag:$0x1] =	stream.indirect_vreg.gather [hbm4b:s5+s2], $0x80, v2, vm0, $0xb8;
	[tilespmem:$0x10200] =	vst v63  }
0x68: {  	s8 =	simm.s32 $0x5A00;
	s11 =	sld [smem:$0x7EA]  }
0x69: {  	[tilespmem:s8], [sflag:$0x1] =	stream.indirect_vreg.gather [hbm4b:s7+s2], $0x80, v2, vm0, $0xb8;
	[tilespmem:$0x10200] =	vst v63  }
0x6a: {  	s14 =	simm.s32 $0x6200;
	s15 =	sld [smem:$0x7EB]  }
0x6b: {  	[tilespmem:s14], [sflag:$0x1] =	stream.indirect_vreg.gather [hbm4b:s11+s2], $0x80, v2, vm0, $0xb8;
	[tilespmem:$0x10200] =	vst v63  }
0x6c: {  	s18 =	simm.s32 $0x6A00;
	s20 =	sld [smem:$0x7EC]  }
0x6d: {  	[tilespmem:s18], [sflag:$0x1] =	stream.indirect_vreg.gather [hbm4b:s15+s2], $0x80, v2, vm0, $0xb8;
	[tilespmem:$0x10200] =	vst v63  }
0x6e: {  	s22 =	simm.s32 $0x7200;
	s28 =	sld [smem:$0x7ED]  }
0x6f: {  	[tilespmem:s22], [sflag:$0x1] =	stream.indirect_vreg.gather [hbm4b:s20+s2], $0x80, v2, vm0, $0xb8;
	[tilespmem:$0x10200] =	vst v63  }
0x70: {  	s29 =	simm.s32 $0x7A00;
	s30 =	sld [smem:$0x7EE]  }
0x71: {  	[tilespmem:s29], [sflag:$0x1] =	stream.indirect_vreg.gather [hbm4b:s28+s2], $0x80, v2, vm0, $0xb8;
	[tilespmem:$0x10200] =	vst v63  }
0x72: {  	s31 =	simm.s32 $0x8200;
	s5 =	sld [smem:$0x7EF]  }
0x73: {  	[tilespmem:s31], [sflag:$0x1] =	stream.indirect_vreg.gather [hbm4b:s30+s2], $0x80, v2, vm0, $0xb8;
	[tilespmem:$0x10200] =	vst v63  }
0x74: {  	s6 =	simm.s32 $0x8A00;
	s7 =	sld [smem:$0x7F0]  }
0x75: {  	[tilespmem:s6], [sflag:$0x1] =	stream.indirect_vreg.gather [hbm4b:s5+s2], $0x80, v2, vm0, $0xb8;
	[tilespmem:$0x10200] =	vst v63  }
0x76: {  	s8 =	simm.s32 $0x9200;
	s5 =	sld [smem:$0x7F1]  }
0x77: {  	[tilespmem:s8], [sflag:$0x1] =	stream.indirect_vreg.gather [hbm4b:s7+s2], $0x80, v2, vm0, $0xb8;
	[tilespmem:$0x10200] =	vst v63  }
0x78: {  	s11 =	simm.s32 $0x9A00;
	s15 =	sld [smem:$0x7F2]  }
0x79: {  	[tilespmem:s11], [sflag:$0x1] =	stream.indirect_vreg.gather [hbm4b:s5+s2], $0x80, v2, vm0, $0xb8;
	[tilespmem:$0x10200] =	vst v63  }
0x7a: {  	s20 =	simm.s32 $0xA200;
	s6 =	sld [smem:$0x7F3]  }
0x7b: {  	[tilespmem:s20], [sflag:$0x1] =	stream.indirect_vreg.gather [hbm4b:s15+s2], $0x80, v2, vm0, $0xb8;
	[tilespmem:$0x10200] =	vst v63  }
0x7c: {  	s22 =	simm.s32 $0xAA00;
	s28 =	sld [smem:$0x7F4]  }
0x7d: {  	[tilespmem:s22], [sflag:$0x1] =	stream.indirect_vreg.gather [hbm4b:s6+s2], $0x80, v2, vm0, $0xb8;
	[tilespmem:$0x10200] =	vst v63  }
0x7e: {  	s29 =	simm.s32 $0xB200;
	s30 =	sld [smem:$0x7F5]  }
0x7f: {  	[tilespmem:s29], [sflag:$0x1] =	stream.indirect_vreg.gather [hbm4b:s28+s2], $0x80, v2, vm0, $0xb8;
	[tilespmem:$0x10200] =	vst v63  }
0x80: {  	s0 =	sld [smem:$0x7F6];
	s31 =	simm.s32 $0xBA00  }
0x81: {  	[tilespmem:s31], [sflag:$0x1] =	stream.indirect_vreg.gather [hbm4b:s30+s2], $0x80, v2, vm0, $0xb8;
	[tilespmem:$0x10200] =	vst v63  }
0x82: {  	s1 =	simm.s32 $0xC200;
	s8 =	sld [smem:$0x7F7]  }
0x83: {  	[tilespmem:s1], [sflag:$0x1] =	stream.indirect_vreg.gather [hbm4b:s0+s2], $0x80, v2, vm0, $0xb8;
	[tilespmem:$0x10200] =	vst v63  }
0x84: {  	s7 =	simm.s32 $0xCA00;
	s15 =	sld [smem:$0x7F8]  }
0x85: {  	[tilespmem:s7], [sflag:$0x1] =	stream.indirect_vreg.gather [hbm4b:s8+s2], $0x80, v2, vm0, $0xb8;
	[tilespmem:$0x10200] =	vst v63  }
0x86: {  	s28 =	simm.s32 $0xD200;
	s7 =	sld [smem:$0x7F9]  }
0x87: {  	[tilespmem:s28], [sflag:$0x1] =	stream.indirect_vreg.gather [hbm4b:s15+s2], $0x80, v2, vm0, $0xb8;
	[tilespmem:$0x10200] =	vst v63  }
0x88: {  	s29 =	simm.s32 $0xDA00;
	s30 =	sld [smem:$0x7FA]  }
0x89: {  	[tilespmem:s29], [sflag:$0x1] =	stream.indirect_vreg.gather [hbm4b:s7+s2], $0x80, v2, vm0, $0xb8;
	[tilespmem:$0x10200] =	vst v63  }
0x8a: {  	s31 =	simm.s32 $0xE200;
	s15 =	sld [smem:$0x7FB]  }
0x8b: {  	[tilespmem:s31], [sflag:$0x1] =	stream.indirect_vreg.gather [hbm4b:s30+s2], $0x80, v2, vm0, $0xb8;
	[tilespmem:$0x10200] =	vst v63  }
0x8c: {  	s28 =	simm.s32 $0xEA00;
	s29 =	sld [smem:$0x7FC]  }
0x8d: {  	[tilespmem:s28], [sflag:$0x1] =	stream.indirect_vreg.gather [hbm4b:s15+s2], $0x80, v2, vm0, $0xb8;
	[tilespmem:$0x10200] =	vst v63  }
0x8e: {  	s30 =	simm.s32 $0xF200;
	s15 =	sld [smem:$0x7FD]  }
0x8f: {  	[tilespmem:s30], [sflag:$0x1] =	stream.indirect_vreg.gather [hbm4b:s29+s2], $0x80, v2, vm0, $0xb8;
	[tilespmem:$0x10200] =	vst v63  }
0x90: {  	s16 =	simm.s32 $0x1;
	s31 =	simm.s32 $0xFA00  }
0x91: {  	[tilespmem:s31], [sflag:$0x1] =	stream.indirect_vreg.gather [hbm4b:s15+s2], $0x80, v2, vm0, $0xb8;
	[tilespmem:$0x10200] =	vst v63  }
0x92: {  	_ =	swait.ge [sflag:s16], $0x10000  }
0x93: {  	[sflag:s16] =	ssyncset.done $0x0  }
0x94: {  	[sflag:s16] =	ssyncadd.s32 $0xFFFF0000  }
0x95: {  	v2 =	vld.msk [tilespmem:$0x0], $0x3;
	_ =	sdelay $0x4  }
0x96: {  	v3 =	vshll.u32 v2, $0x8  }
0x97: {  	v2 =	vand.u32 $0x7, v2;
	v3 =	vand.u32 $0xFFFFF800, v3  }
0x98: {  	v2 =	vor.u32 v2, v3  }
0x99: {  	v2 =	vperm.xlane v2, v0;
	_ =	sdelay $0x1  }
0x9a: {  	v2 =	vadd.s32 v1, v2;
	_ =	sdelay $0x2  }
0x9b: {  	s1 =	rddreg [dreg:$0x5]  }
0x9c: {  	s3 =	simm.s32 $0x200;
	s31 =	rddreg [dreg:$0x8]  }
0x9d: {  	[hbm4b:s1+s2] =	stream.indirect_vreg.scatter [tilespmem:s3], [sflag:$0x1], $0x80, v2, vm0, $0xb8;
	[tilespmem:$0x10200] =	vst v63  }
0x9e: {  	s4 =	simm.s32 $0xA00;
	s3 =	rddreg [dreg:$0x6]  }
0x9f: {  	[hbm4b:s3+s2] =	stream.indirect_vreg.scatter [tilespmem:s4], [sflag:$0x1], $0x80, v2, vm0, $0xb8;
	[tilespmem:$0x10200] =	vst v63  }
0xa0: {  	s9 =	simm.s32 $0x1200;
	s4 =	rddreg [dreg:$0x7]  }
0xa1: {  	[hbm4b:s4+s2] =	stream.indirect_vreg.scatter [tilespmem:s9], [sflag:$0x1], $0x80, v2, vm0, $0xb8;
	[tilespmem:$0x10200] =	vst v63  }
0xa2: {  	s13 =	simm.s32 $0x1A00;
	s30 =	rddreg [dreg:$0xa]  }
0xa3: {  	[hbm4b:s31+s2] =	stream.indirect_vreg.scatter [tilespmem:s13], [sflag:$0x1], $0x80, v2, vm0, $0xb8;
	[tilespmem:$0x10200] =	vst v63  }
0xa4: {  	s17 =	simm.s32 $0x2200;
	s9 =	rddreg [dreg:$0x9]  }
0xa5: {  	[hbm4b:s9+s2] =	stream.indirect_vreg.scatter [tilespmem:s17], [sflag:$0x1], $0x80, v2, vm0, $0xb8;
	[tilespmem:$0x10200] =	vst v63  }
0xa6: {  	s21 =	simm.s32 $0x2A00;
	s29 =	rddreg [dreg:$0xc]  }
0xa7: {  	[hbm4b:s30+s2] =	stream.indirect_vreg.scatter [tilespmem:s21], [sflag:$0x1], $0x80, v2, vm0, $0xb8;
	[tilespmem:$0x10200] =	vst v63  }
0xa8: {  	s10 =	simm.s32 $0x3200;
	s13 =	rddreg [dreg:$0xb]  }
0xa9: {  	[hbm4b:s13+s2] =	stream.indirect_vreg.scatter [tilespmem:s10], [sflag:$0x1], $0x80, v2, vm0, $0xb8;
	[tilespmem:$0x10200] =	vst v63  }
0xaa: {  	s23 =	simm.s32 $0x3A00;
	s28 =	rddreg [dreg:$0xe]  }
0xab: {  	[hbm4b:s29+s2] =	stream.indirect_vreg.scatter [tilespmem:s23], [sflag:$0x1], $0x80, v2, vm0, $0xb8;
	[tilespmem:$0x10200] =	vst v63  }
0xac: {  	s12 =	simm.s32 $0x4200;
	s16 =	rddreg [dreg:$0xf]  }
0xad: {  	[hbm4b:s16+s2] =	stream.indirect_vreg.scatter [tilespmem:s12], [sflag:$0x1], $0x80, v2, vm0, $0xb8;
	[tilespmem:$0x10200] =	vst v63  }
0xae: {  	s24 =	simm.s32 $0x4A00;
	s17 =	rddreg [dreg:$0xd]  }
0xaf: {  	[hbm4b:s17+s2] =	stream.indirect_vreg.scatter [tilespmem:s24], [sflag:$0x1], $0x80, v2, vm0, $0xb8;
	[tilespmem:$0x10200] =	vst v63  }
0xb0: {  	s26 =	simm.s32 $0x5200;
	s1 =	rddreg [dreg:$0x12]  }
0xb1: {  	[hbm4b:s28+s2] =	stream.indirect_vreg.scatter [tilespmem:s26], [sflag:$0x1], $0x80, v2, vm0, $0xb8;
	[tilespmem:$0x10200] =	vst v63  }
0xb2: {  	s19 =	simm.s32 $0x5A00;
	s24 =	rddreg [dreg:$0x10]  }
0xb3: {  	[hbm4b:s24+s2] =	stream.indirect_vreg.scatter [tilespmem:s19], [sflag:$0x1], $0x80, v2, vm0, $0xb8;
	[tilespmem:$0x10200] =	vst v63  }
0xb4: {  	s25 =	simm.s32 $0x6200;
	s26 =	rddreg [dreg:$0x11]  }
0xb5: {  	[hbm4b:s26+s2] =	stream.indirect_vreg.scatter [tilespmem:s25], [sflag:$0x1], $0x80, v2, vm0, $0xb8;
	[tilespmem:$0x10200] =	vst v63  }
0xb6: {  	s18 =	simm.s32 $0x6A00;
	s3 =	rddreg [dreg:$0x13]  }
0xb7: {  	[hbm4b:s1+s2] =	stream.indirect_vreg.scatter [tilespmem:s18], [sflag:$0x1], $0x80, v2, vm0, $0xb8;
	[tilespmem:$0x10200] =	vst v63  }
0xb8: {  	s4 =	rddreg [dreg:$0x14];
	s12 =	simm.s32 $0x7200  }
0xb9: {  	[hbm4b:s3+s2] =	stream.indirect_vreg.scatter [tilespmem:s12], [sflag:$0x1], $0x80, v2, vm0, $0xb8;
	[tilespmem:$0x10200] =	vst v63  }
0xba: {  	s13 =	simm.s32 $0x7A00;
	s10 =	rddreg [dreg:$0x18]  }
0xbb: {  	[hbm4b:s4+s2] =	stream.indirect_vreg.scatter [tilespmem:s13], [sflag:$0x1], $0x80, v2, vm0, $0xb8;
	[tilespmem:$0x10200] =	vst v63  }
0xbc: {  	s16 =	rddreg [dreg:$0x15];
	s24 =	simm.s32 $0x8200  }
0xbd: {  	[hbm4b:s10+s2] =	stream.indirect_vreg.scatter [tilespmem:s24], [sflag:$0x1], $0x80, v2, vm0, $0xb8;
	[tilespmem:$0x10200] =	vst v63  }
0xbe: {  	s17 =	rddreg [dreg:$0x16];
	s10 =	simm.s32 $0x8A00  }
0xbf: {  	[hbm4b:s16+s2] =	stream.indirect_vreg.scatter [tilespmem:s10], [sflag:$0x1], $0x80, v2, vm0, $0xb8;
	[tilespmem:$0x10200] =	vst v63  }
0xc0: {  	s14 =	simm.s32 $0x9200;
	s19 =	rddreg [dreg:$0x19]  }
0xc1: {  	[hbm4b:s17+s2] =	stream.indirect_vreg.scatter [tilespmem:s14], [sflag:$0x1], $0x80, v2, vm0, $0xb8;
	[tilespmem:$0x10200] =	vst v63  }
0xc2: {  	s5 =	simm.s32 $0x9A00;
	s18 =	rddreg [dreg:$0x17]  }
0xc3: {  	[hbm4b:s18+s2] =	stream.indirect_vreg.scatter [tilespmem:s5], [sflag:$0x1], $0x80, v2, vm0, $0xb8;
	[tilespmem:$0x10200] =	vst v63  }
0xc4: {  	s20 =	simm.s32 $0xA200;
	s26 =	rddreg [dreg:$0x1a]  }
0xc5: {  	[hbm4b:s19+s2] =	stream.indirect_vreg.scatter [tilespmem:s20], [sflag:$0x1], $0x80, v2, vm0, $0xb8;
	[tilespmem:$0x10200] =	vst v63  }
0xc6: {  	s22 =	simm.s32 $0xAA00;
	s1 =	rddreg [dreg:$0x1b]  }
0xc7: {  	[hbm4b:s26+s2] =	stream.indirect_vreg.scatter [tilespmem:s22], [sflag:$0x1], $0x80, v2, vm0, $0xb8;
	[tilespmem:$0x10200] =	vst v63  }
0xc8: {  	s3 =	simm.s32 $0xB200;
	s4 =	rddreg [dreg:$0x1c]  }
0xc9: {  	[hbm4b:s1+s2] =	stream.indirect_vreg.scatter [tilespmem:s3], [sflag:$0x1], $0x80, v2, vm0, $0xb8;
	[tilespmem:$0x10200] =	vst v63  }
0xca: {  	s11 =	simm.s32 $0xBA00;
	s16 =	sld [smem:$0x7DA]  }
0xcb: {  	[hbm4b:s4+s2] =	stream.indirect_vreg.scatter [tilespmem:s11], [sflag:$0x1], $0x80, v2, vm0, $0xb8;
	[tilespmem:$0x10200] =	vst v63  }
0xcc: {  	s6 =	simm.s32 $0xC200;
	s5 =	rddreg [dreg:$0x1f]  }
0xcd: {  	[hbm4b:s5+s2] =	stream.indirect_vreg.scatter [tilespmem:s6], [sflag:$0x1], $0x80, v2, vm0, $0xb8;
	[tilespmem:$0x10200] =	vst v63  }
0xce: {  	s8 =	simm.s32 $0xCA00;
	s11 =	rddreg [dreg:$0x1d]  }
0xcf: {  	[hbm4b:s11+s2] =	stream.indirect_vreg.scatter [tilespmem:s8], [sflag:$0x1], $0x80, v2, vm0, $0xb8;
	[tilespmem:$0x10200] =	vst v63  }
0xd0: {  	s0 =	simm.s32 $0xD200;
	s14 =	rddreg [dreg:$0x1e]  }
0xd1: {  	[hbm4b:s14+s2] =	stream.indirect_vreg.scatter [tilespmem:s0], [sflag:$0x1], $0x80, v2, vm0, $0xb8;
	[tilespmem:$0x10200] =	vst v63  }
0xd2: {  	s17 =	sld [smem:$0x7DB];
	s1 =	simm.s32 $0xDA00  }
0xd3: {  	[hbm4b:s16+s2] =	stream.indirect_vreg.scatter [tilespmem:s1], [sflag:$0x1], $0x80, v2, vm0, $0xb8;
	[tilespmem:$0x10200] =	vst v63  }
0xd4: {  	s18 =	sld [smem:$0x7DC];
	s3 =	simm.s32 $0xE200  }
0xd5: {  	[hbm4b:s17+s2] =	stream.indirect_vreg.scatter [tilespmem:s3], [sflag:$0x1], $0x80, v2, vm0, $0xb8;
	[tilespmem:$0x10200] =	vst v63  }
0xd6: {  	s19 =	sld [smem:$0x7DD];
	s4 =	simm.s32 $0xEA00  }
0xd7: {  	[hbm4b:s18+s2] =	stream.indirect_vreg.scatter [tilespmem:s4], [sflag:$0x1], $0x80, v2, vm0, $0xb8;
	[tilespmem:$0x10200] =	vst v63  }
0xd8: {  	s20 =	sld [smem:$0x7DE];
	s5 =	simm.s32 $0xF200  }
0xd9: {  	[hbm4b:s19+s2] =	stream.indirect_vreg.scatter [tilespmem:s5], [sflag:$0x1], $0x80, v2, vm0, $0xb8;
	[tilespmem:$0x10200] =	vst v63  }
0xda: {  	s22 =	simm.s32 $0xFA00;
	s26 =	simm.s32 $0x1  }
0xdb: {  	[hbm4b:s20+s2] =	stream.indirect_vreg.scatter [tilespmem:s22], [sflag:$0x1], $0x80, v2, vm0, $0xb8;
	[tilespmem:$0x10200] =	vst v63  }
0xdc: {  	_ =	swait.ge [sflag:s26], $0x10000  }
0xdd: {  	[sflag:s26] =	ssyncset.done $0x0  }
0xde: {  	[sflag:s26] =	ssyncadd.s32 $0xFFFF0000  }
0xdf: {  	v2 =	vld.msk [tilespmem:$0x80], $0x3;
	_ =	sdelay $0x4  }
0xe0: {  	v3 =	vshll.u32 v2, $0x8  }
0xe1: {  	v2 =	vand.u32 $0x7, v2;
	v3 =	vand.u32 $0xFFFFF800, v3  }
0xe2: {  	v2 =	vor.u32 v2, v3  }
0xe3: {  	v2 =	vperm.xlane v2, v0;
	_ =	sdelay $0x1  }
0xe4: {  	v2 =	vadd.s32 v1, v2;
	_ =	sdelay $0x2  }
0xe5: {  	s11 =	sld [smem:$0x7DF]  }
0xe6: {  	s26 =	simm.s32 $0x200;
	s8 =	rddreg [dreg:$0x0]  }
0xe7: {  	[tilespmem:s26], [sflag:$0x1] =	stream.indirect_vreg.gather [hbm4b:s8+s2], $0x80, v2, vm0, $0xb8;
	[tilespmem:$0x10200] =	vst v63  }
0xe8: {  	s16 =	simm.s32 $0xA00;
	s14 =	sld [smem:$0x7E0]  }
0xe9: {  	[tilespmem:s16], [sflag:$0x1] =	stream.indirect_vreg.gather [hbm4b:s11+s2], $0x80, v2, vm0, $0xb8;
	[tilespmem:$0x10200] =	vst v63  }
0xea: {  	s22 =	simm.s32 $0x1200;
	s17 =	sld [smem:$0x7E1]  }
0xeb: {  	[tilespmem:s22], [sflag:$0x1] =	stream.indirect_vreg.gather [hbm4b:s14+s2], $0x80, v2, vm0, $0xb8;
	[tilespmem:$0x10200] =	vst v63  }
0xec: {  	s18 =	simm.s32 $0x1A00;
	s14 =	sld [smem:$0x7E2]  }
0xed: {  	[tilespmem:s18], [sflag:$0x1] =	stream.indirect_vreg.gather [hbm4b:s17+s2], $0x80, v2, vm0, $0xb8;
	[tilespmem:$0x10200] =	vst v63  }
0xee: {  	s20 =	simm.s32 $0x2200;
	s17 =	sld [smem:$0x7E3]  }
0xef: {  	[tilespmem:s20], [sflag:$0x1] =	stream.indirect_vreg.gather [hbm4b:s14+s2], $0x80, v2, vm0, $0xb8;
	[tilespmem:$0x10200] =	vst v63  }
0xf0: {  	s19 =	simm.s32 $0x2A00  }
0xf1: {  	[tilespmem:s19], [sflag:$0x1] =	stream.indirect_vreg.gather [hbm4b:s17+s2], $0x80, v2, vm0, $0xb8;
	[tilespmem:$0x10200] =	vst v63  }
0xf2: {  	s19 =	sld [smem:$0x7E4];
	_ =	sdelay $0x1  }
0xf3: {  	s21 =	simm.s32 $0x3200  }
0xf4: {  	[tilespmem:s21], [sflag:$0x1] =	stream.indirect_vreg.gather [hbm4b:s19+s2], $0x80, v2, vm0, $0xb8;
	[tilespmem:$0x10200] =	vst v63  }
0xf5: {  	s21 =	sld [smem:$0x7E5];
	_ =	sdelay $0x1  }
0xf6: {  	s23 =	simm.s32 $0x3A00  }
0xf7: {  	[tilespmem:s23], [sflag:$0x1] =	stream.indirect_vreg.gather [hbm4b:s21+s2], $0x80, v2, vm0, $0xb8;
	[tilespmem:$0x10200] =	vst v63  }
0xf8: {  	s23 =	sld [smem:$0x7E6];
	_ =	sdelay $0x1  }
0xf9: {  	s8 =	simm.s32 $0x4200;
	s11 =	sld [smem:$0x7E7]  }
0xfa: {  	[tilespmem:s8], [sflag:$0x1] =	stream.indirect_vreg.gather [hbm4b:s23+s2], $0x80, v2, vm0, $0xb8;
	[tilespmem:$0x10200] =	vst v63  }
0xfb: {  	s6 =	sld [smem:$0x7E8];
	s8 =	simm.s32 $0x4A00  }
0xfc: {  	[tilespmem:s8], [sflag:$0x1] =	stream.indirect_vreg.gather [hbm4b:s11+s2], $0x80, v2, vm0, $0xb8;
	[tilespmem:$0x10200] =	vst v63  }
0xfd: {  	s8 =	simm.s32 $0x5200  }
0xfe: {  	[tilespmem:s8], [sflag:$0x1] =	stream.indirect_vreg.gather [hbm4b:s6+s2], $0x80, v2, vm0, $0xb8;
	[tilespmem:$0x10200] =	vst v63  }
0xff: {  	s6 =	sld [smem:$0x7E9];
	_ =	sdelay $0x1  }
0x100: {  	s8 =	simm.s32 $0x5A00  }
0x101: {  	[tilespmem:s8], [sflag:$0x1] =	stream.indirect_vreg.gather [hbm4b:s6+s2], $0x80, v2, vm0, $0xb8;
	[tilespmem:$0x10200] =	vst v63  }
0x102: {  	s8 =	sld [smem:$0x7EA];
	_ =	sdelay $0x1  }
0x103: {  	s25 =	simm.s32 $0x6200  }
0x104: {  	[tilespmem:s25], [sflag:$0x1] =	stream.indirect_vreg.gather [hbm4b:s8+s2], $0x80, v2, vm0, $0xb8;
	[tilespmem:$0x10200] =	vst v63  }
0x105: {  	s25 =	sld [smem:$0x7EB];
	_ =	sdelay $0x1  }
0x106: {  	s9 =	simm.s32 $0x6A00;
	s6 =	sld [smem:$0x7EC]  }
0x107: {  	[tilespmem:s9], [sflag:$0x1] =	stream.indirect_vreg.gather [hbm4b:s25+s2], $0x80, v2, vm0, $0xb8;
	[tilespmem:$0x10200] =	vst v63  }
0x108: {  	s8 =	sld [smem:$0x7ED]  }
0x109: {  	[tilespmem:s12], [sflag:$0x1] =	stream.indirect_vreg.gather [hbm4b:s6+s2], $0x80, v2, vm0, $0xb8;
	[tilespmem:$0x10200] =	vst v63  }
0x10a: {  	s9 =	sld [smem:$0x7EE]  }
0x10b: {  	[tilespmem:s13], [sflag:$0x1] =	stream.indirect_vreg.gather [hbm4b:s8+s2], $0x80, v2, vm0, $0xb8;
	[tilespmem:$0x10200] =	vst v63  }
0x10c: {  	s12 =	sld [smem:$0x7EF]  }
0x10d: {  	[tilespmem:s24], [sflag:$0x1] =	stream.indirect_vreg.gather [hbm4b:s9+s2], $0x80, v2, vm0, $0xb8;
	[tilespmem:$0x10200] =	vst v63  }
0x10e: {  	s25 =	sld [smem:$0x7F0]  }
0x10f: {  	[tilespmem:s10], [sflag:$0x1] =	stream.indirect_vreg.gather [hbm4b:s12+s2], $0x80, v2, vm0, $0xb8;
	[tilespmem:$0x10200] =	vst v63  }
0x110: {  	s13 =	sld [smem:$0x7F1];
	s9 =	simm.s32 $0x9200  }
0x111: {  	[tilespmem:s9], [sflag:$0x1] =	stream.indirect_vreg.gather [hbm4b:s25+s2], $0x80, v2, vm0, $0xb8;
	[tilespmem:$0x10200] =	vst v63  }
0x112: {  	s24 =	sld [smem:$0x7F2];
	s12 =	simm.s32 $0x9A00  }
0x113: {  	[tilespmem:s12], [sflag:$0x1] =	stream.indirect_vreg.gather [hbm4b:s13+s2], $0x80, v2, vm0, $0xb8;
	[tilespmem:$0x10200] =	vst v63  }
0x114: {  	s8 =	sld [smem:$0x7F3];
	s13 =	simm.s32 $0xA200  }
0x115: {  	[tilespmem:s13], [sflag:$0x1] =	stream.indirect_vreg.gather [hbm4b:s24+s2], $0x80, v2, vm0, $0xb8;
	[tilespmem:$0x10200] =	vst v63  }
0x116: {  	s6 =	simm.s32 $0xAA00;
	s24 =	sld [smem:$0x7F4]  }
0x117: {  	[tilespmem:s6], [sflag:$0x1] =	stream.indirect_vreg.gather [hbm4b:s8+s2], $0x80, v2, vm0, $0xb8;
	[tilespmem:$0x10200] =	vst v63  }
0x118: {  	s10 =	sld [smem:$0x7F5];
	s8 =	simm.s32 $0xB200  }
0x119: {  	[tilespmem:s8], [sflag:$0x1] =	stream.indirect_vreg.gather [hbm4b:s24+s2], $0x80, v2, vm0, $0xb8;
	[tilespmem:$0x10200] =	vst v63  }
0x11a: {  	s24 =	simm.s32 $0xBA00  }
0x11b: {  	[tilespmem:s24], [sflag:$0x1] =	stream.indirect_vreg.gather [hbm4b:s10+s2], $0x80, v2, vm0, $0xb8;
	[tilespmem:$0x10200] =	vst v63  }
0x11c: {  	s24 =	sld [smem:$0x7F6];
	_ =	sdelay $0x1  }
0x11d: {  	s8 =	simm.s32 $0xC200  }
0x11e: {  	[tilespmem:s8], [sflag:$0x1] =	stream.indirect_vreg.gather [hbm4b:s24+s2], $0x80, v2, vm0, $0xb8;
	[tilespmem:$0x10200] =	vst v63  }
0x11f: {  	s8 =	sld [smem:$0x7F7];
	_ =	sdelay $0x1  }
0x120: {  	s6 =	simm.s32 $0xCA00;
	s24 =	sld [smem:$0x7F8]  }
0x121: {  	[tilespmem:s6], [sflag:$0x1] =	stream.indirect_vreg.gather [hbm4b:s8+s2], $0x80, v2, vm0, $0xb8;
	[tilespmem:$0x10200] =	vst v63  }
0x122: {  	_ = 	snop  }
0x123: {  	[tilespmem:s0], [sflag:$0x1] =	stream.indirect_vreg.gather [hbm4b:s24+s2], $0x80, v2, vm0, $0xb8;
	[tilespmem:$0x10200] =	vst v63  }
0x124: {  	_ = 	snop  }
0x125: {  	[tilespmem:s1], [sflag:$0x1] =	stream.indirect_vreg.gather [hbm4b:s7+s2], $0x80, v2, vm0, $0xb8;
	[tilespmem:$0x10200] =	vst v63  }
0x126: {  	s7 =	sld [smem:$0x7FA];
	_ =	sdelay $0x1  }
0x127: {  	s8 =	sld [smem:$0x7FB]  }
0x128: {  	[tilespmem:s3], [sflag:$0x1] =	stream.indirect_vreg.gather [hbm4b:s7+s2], $0x80, v2, vm0, $0xb8;
	[tilespmem:$0x10200] =	vst v63  }
0x129: {  	s6 =	sld [smem:$0x7FC]  }
0x12a: {  	[tilespmem:s4], [sflag:$0x1] =	stream.indirect_vreg.gather [hbm4b:s8+s2], $0x80, v2, vm0, $0xb8;
	[tilespmem:$0x10200] =	vst v63  }
0x12b: {  	_ = 	snop  }
0x12c: {  	[tilespmem:s5], [sflag:$0x1] =	stream.indirect_vreg.gather [hbm4b:s6+s2], $0x80, v2, vm0, $0xb8;
	[tilespmem:$0x10200] =	vst v63  }
0x12d: {  	s10 =	simm.s32 $0xFA00;
	s24 =	simm.s32 $0x1  }
0x12e: {  	[tilespmem:s10], [sflag:$0x1] =	stream.indirect_vreg.gather [hbm4b:s15+s2], $0x80, v2, vm0, $0xb8;
	[tilespmem:$0x10200] =	vst v63  }
0x12f: {  	_ =	swait.ge [sflag:s24], $0x10000  }
0x130: {  	[sflag:s24] =	ssyncset.done $0x0  }
0x131: {  	[sflag:s24] =	ssyncadd.s32 $0xFFFF0000  }
0x132: {  	v2 =	vld.msk [tilespmem:$0x80], $0x3;
	_ =	sdelay $0x4  }
0x133: {  	v3 =	vshll.u32 v2, $0x8  }
0x134: {  	v2 =	vand.u32 $0x7, v2;
	v3 =	vand.u32 $0xFFFFF800, v3  }
0x135: {  	v2 =	vor.u32 v2, v3  }
0x136: {  	v2 =	vperm.xlane v2, v0;
	_ =	sdelay $0x1  }
0x137: {  	v2 =	vadd.s32 v1, v2;
	_ =	sdelay $0x3  }
0x138: {  	s15 =	rddreg [dreg:$0x5]  }
0x139: {  	[hbm4b:s15+s2] =	stream.indirect_vreg.scatter [tilespmem:s26], [sflag:$0x1], $0x80, v2, vm0, $0xb8;
	[tilespmem:$0x10200] =	vst v63  }
0x13a: {  	s26 =	rddreg [dreg:$0x6]  }
0x13b: {  	[hbm4b:s26+s2] =	stream.indirect_vreg.scatter [tilespmem:s16], [sflag:$0x1], $0x80, v2, vm0, $0xb8;
	[tilespmem:$0x10200] =	vst v63  }
0x13c: {  	s16 =	rddreg [dreg:$0x7]  }
0x13d: {  	[hbm4b:s16+s2] =	stream.indirect_vreg.scatter [tilespmem:s22], [sflag:$0x1], $0x80, v2, vm0, $0xb8;
	[tilespmem:$0x10200] =	vst v63  }
0x13e: {  	_ = 	snop  }
0x13f: {  	[hbm4b:s31+s2] =	stream.indirect_vreg.scatter [tilespmem:s18], [sflag:$0x1], $0x80, v2, vm0, $0xb8;
	[tilespmem:$0x10200] =	vst v63  }
0x140: {  	s18 =	rddreg [dreg:$0x9]  }
0x141: {  	[hbm4b:s18+s2] =	stream.indirect_vreg.scatter [tilespmem:s20], [sflag:$0x1], $0x80, v2, vm0, $0xb8;
	[tilespmem:$0x10200] =	vst v63  }
0x142: {  	s0 =	simm.s32 $0x2A00  }
0x143: {  	[hbm4b:s30+s2] =	stream.indirect_vreg.scatter [tilespmem:s0], [sflag:$0x1], $0x80, v2, vm0, $0xb8;
	[tilespmem:$0x10200] =	vst v63  }
0x144: {  	s5 =	simm.s32 $0x3200;
	s20 =	rddreg [dreg:$0xb]  }
0x145: {  	[hbm4b:s20+s2] =	stream.indirect_vreg.scatter [tilespmem:s5], [sflag:$0x1], $0x80, v2, vm0, $0xb8;
	[tilespmem:$0x10200] =	vst v63  }
0x146: {  	s10 =	simm.s32 $0x3A00  }
0x147: {  	[hbm4b:s29+s2] =	stream.indirect_vreg.scatter [tilespmem:s10], [sflag:$0x1], $0x80, v2, vm0, $0xb8;
	[tilespmem:$0x10200] =	vst v63  }
0x148: {  	s24 =	rddreg [dreg:$0xf];
	s22 =	simm.s32 $0x4200  }
0x149: {  	[hbm4b:s24+s2] =	stream.indirect_vreg.scatter [tilespmem:s22], [sflag:$0x1], $0x80, v2, vm0, $0xb8;
	[tilespmem:$0x10200] =	vst v63  }
0x14a: {  	s26 =	simm.s32 $0x4A00;
	s22 =	rddreg [dreg:$0xd]  }
0x14b: {  	[hbm4b:s22+s2] =	stream.indirect_vreg.scatter [tilespmem:s26], [sflag:$0x1], $0x80, v2, vm0, $0xb8;
	[tilespmem:$0x10200] =	vst v63  }
0x14c: {  	s0 =	rddreg [dreg:$0x17];
	s29 =	simm.s32 $0x5200  }
0x14d: {  	[hbm4b:s28+s2] =	stream.indirect_vreg.scatter [tilespmem:s29], [sflag:$0x1], $0x80, v2, vm0, $0xb8;
	[tilespmem:$0x10200] =	vst v63  }
0x14e: {  	s30 =	simm.s32 $0x5A00;
	s26 =	rddreg [dreg:$0x10]  }
0x14f: {  	[hbm4b:s26+s2] =	stream.indirect_vreg.scatter [tilespmem:s30], [sflag:$0x1], $0x80, v2, vm0, $0xb8;
	[tilespmem:$0x10200] =	vst v63  }
0x150: {  	s31 =	simm.s32 $0x6200;
	s28 =	rddreg [dreg:$0x11]  }
0x151: {  	[hbm4b:s28+s2] =	stream.indirect_vreg.scatter [tilespmem:s31], [sflag:$0x1], $0x80, v2, vm0, $0xb8;
	[tilespmem:$0x10200] =	vst v63  }
0x152: {  	s1 =	simm.s32 $0x6A00;
	s29 =	rddreg [dreg:$0x12]  }
0x153: {  	[hbm4b:s29+s2] =	stream.indirect_vreg.scatter [tilespmem:s1], [sflag:$0x1], $0x80, v2, vm0, $0xb8;
	[tilespmem:$0x10200] =	vst v63  }
0x154: {  	s5 =	simm.s32 $0x7200;
	s30 =	rddreg [dreg:$0x13]  }
0x155: {  	[hbm4b:s30+s2] =	stream.indirect_vreg.scatter [tilespmem:s5], [sflag:$0x1], $0x80, v2, vm0, $0xb8;
	[tilespmem:$0x10200] =	vst v63  }
0x156: {  	s11 =	simm.s32 $0x7A00;
	s31 =	rddreg [dreg:$0x14]  }
0x157: {  	[hbm4b:s31+s2] =	stream.indirect_vreg.scatter [tilespmem:s11], [sflag:$0x1], $0x80, v2, vm0, $0xb8;
	[tilespmem:$0x10200] =	vst v63  }
0x158: {  	s10 =	simm.s32 $0x8200;
	s11 =	rddreg [dreg:$0x18]  }
0x159: {  	[hbm4b:s11+s2] =	stream.indirect_vreg.scatter [tilespmem:s10], [sflag:$0x1], $0x80, v2, vm0, $0xb8;
	[tilespmem:$0x10200] =	vst v63  }
0x15a: {  	s1 =	simm.s32 $0x8A00;
	s10 =	rddreg [dreg:$0x15]  }
0x15b: {  	[hbm4b:s10+s2] =	stream.indirect_vreg.scatter [tilespmem:s1], [sflag:$0x1], $0x80, v2, vm0, $0xb8;
	[tilespmem:$0x10200] =	vst v63  }
0x15c: {  	s5 =	rddreg [dreg:$0x16]  }
0x15d: {  	[hbm4b:s5+s2] =	stream.indirect_vreg.scatter [tilespmem:s9], [sflag:$0x1], $0x80, v2, vm0, $0xb8;
	[tilespmem:$0x10200] =	vst v63  }
0x15e: {  	s5 =	rddreg [dreg:$0x19]  }
0x15f: {  	[hbm4b:s0+s2] =	stream.indirect_vreg.scatter [tilespmem:s12], [sflag:$0x1], $0x80, v2, vm0, $0xb8;
	[tilespmem:$0x10200] =	vst v63  }
0x160: {  	s9 =	rddreg [dreg:$0x1a]  }
0x161: {  	[hbm4b:s5+s2] =	stream.indirect_vreg.scatter [tilespmem:s13], [sflag:$0x1], $0x80, v2, vm0, $0xb8;
	[tilespmem:$0x10200] =	vst v63  }
0x162: {  	s12 =	simm.s32 $0xAA00;
	s13 =	rddreg [dreg:$0x1b]  }
0x163: {  	[hbm4b:s9+s2] =	stream.indirect_vreg.scatter [tilespmem:s12], [sflag:$0x1], $0x80, v2, vm0, $0xb8;
	[tilespmem:$0x10200] =	vst v63  }
0x164: {  	s0 =	simm.s32 $0xB200;
	s5 =	rddreg [dreg:$0x1c]  }
0x165: {  	[hbm4b:s13+s2] =	stream.indirect_vreg.scatter [tilespmem:s0], [sflag:$0x1], $0x80, v2, vm0, $0xb8;
	[tilespmem:$0x10200] =	vst v63  }
0x166: {  	s9 =	simm.s32 $0xBA00;
	s13 =	rddreg [dreg:$0x1f]  }
0x167: {  	[hbm4b:s5+s2] =	stream.indirect_vreg.scatter [tilespmem:s9], [sflag:$0x1], $0x80, v2, vm0, $0xb8;
	[tilespmem:$0x10200] =	vst v63  }
0x168: {  	s12 =	simm.s32 $0xC200;
	s0 =	sld [smem:$0x7DA]  }
0x169: {  	[hbm4b:s13+s2] =	stream.indirect_vreg.scatter [tilespmem:s12], [sflag:$0x1], $0x80, v2, vm0, $0xb8;
	[tilespmem:$0x10200] =	vst v63  }
0x16a: {  	s1 =	simm.s32 $0xCA00;
	s5 =	rddreg [dreg:$0x1d]  }
0x16b: {  	[hbm4b:s5+s2] =	stream.indirect_vreg.scatter [tilespmem:s1], [sflag:$0x1], $0x80, v2, vm0, $0xb8;
	[tilespmem:$0x10200] =	vst v63  }
0x16c: {  	s9 =	simm.s32 $0xD200;
	s12 =	rddreg [dreg:$0x1e]  }
0x16d: {  	[hbm4b:s12+s2] =	stream.indirect_vreg.scatter [tilespmem:s9], [sflag:$0x1], $0x80, v2, vm0, $0xb8;
	[tilespmem:$0x10200] =	vst v63  }
0x16e: {  	s9 =	simm.s32 $0xDA00  }
0x16f: {  	[hbm4b:s0+s2] =	stream.indirect_vreg.scatter [tilespmem:s9], [sflag:$0x1], $0x80, v2, vm0, $0xb8;
	[tilespmem:$0x10200] =	vst v63  }
0x170: {  	s9 =	sld [smem:$0x7DB];
	_ =	sdelay $0x1  }
0x171: {  	s1 =	simm.s32 $0xE200  }
0x172: {  	[hbm4b:s9+s2] =	stream.indirect_vreg.scatter [tilespmem:s1], [sflag:$0x1], $0x80, v2, vm0, $0xb8;
	[tilespmem:$0x10200] =	vst v63  }
0x173: {  	s1 =	sld [smem:$0x7DC];
	_ =	sdelay $0x1  }
0x174: {  	s3 =	simm.s32 $0xEA00  }
0x175: {  	[hbm4b:s1+s2] =	stream.indirect_vreg.scatter [tilespmem:s3], [sflag:$0x1], $0x80, v2, vm0, $0xb8;
	[tilespmem:$0x10200] =	vst v63  }
0x176: {  	s3 =	sld [smem:$0x7DD];
	_ =	sdelay $0x1  }
0x177: {  	s4 =	simm.s32 $0xF200  }
0x178: {  	[hbm4b:s3+s2] =	stream.indirect_vreg.scatter [tilespmem:s4], [sflag:$0x1], $0x80, v2, vm0, $0xb8;
	[tilespmem:$0x10200] =	vst v63  }
0x179: {  	s4 =	sld [smem:$0x7DE];
	_ =	sdelay $0x1  }
0x17a: {  	s0 =	simm.s32 $0xFA00  }
0x17b: {  	[hbm4b:s4+s2] =	stream.indirect_vreg.scatter [tilespmem:s0], [sflag:$0x1], $0x80, v2, vm0, $0xb8;
	[tilespmem:$0x10200] =	vst v63  }
0x17c: {  	s0 =	simm.s32 $0x1  }
0x17d: {  	_ =	swait.ge [sflag:s0], $0x10000  }
0x17e: {  	[sflag:s0] =	ssyncset.done $0x0  }
0x17f: {  	[sflag:s0] =	ssyncadd.s32 $0xFFFF0000  }
0x180: {  	v2 =	vld.msk [tilespmem:$0x100], $0x3;
	_ =	sdelay $0x4  }
0x181: {  	v3 =	vshll.u32 v2, $0x8  }
0x182: {  	v2 =	vand.u32 $0x7, v2;
	v3 =	vand.u32 $0xFFFFF800, v3  }
0x183: {  	v2 =	vor.u32 v2, v3  }
0x184: {  	v2 =	vperm.xlane v2, v0;
	_ =	sdelay $0x1  }
0x185: {  	v2 =	vadd.s32 v1, v2;
	_ =	sdelay $0x3  }
0x186: {  	s8 =	simm.s32 $0x200;
	s0 =	rddreg [dreg:$0x0]  }
0x187: {  	[tilespmem:s8], [sflag:$0x1] =	stream.indirect_vreg.gather [hbm4b:s0+s2], $0x80, v2, vm0, $0xb8;
	[tilespmem:$0x10200] =	vst v63  }
0x188: {  	s0 =	sld [smem:$0x7DF];
	_ =	sdelay $0x1  }
0x189: {  	s8 =	simm.s32 $0xA00  }
0x18a: {  	[tilespmem:s8], [sflag:$0x1] =	stream.indirect_vreg.gather [hbm4b:s0+s2], $0x80, v2, vm0, $0xb8;
	[tilespmem:$0x10200] =	vst v63  }
0x18b: {  	s0 =	sld [smem:$0x7E0];
	_ =	sdelay $0x1  }
0x18c: {  	s8 =	simm.s32 $0x1200  }
0x18d: {  	[tilespmem:s8], [sflag:$0x1] =	stream.indirect_vreg.gather [hbm4b:s0+s2], $0x80, v2, vm0, $0xb8;
	[tilespmem:$0x10200] =	vst v63  }
0x18e: {  	s0 =	sld [smem:$0x7E1];
	_ =	sdelay $0x1  }
0x18f: {  	s8 =	simm.s32 $0x1A00  }
0x190: {  	[tilespmem:s8], [sflag:$0x1] =	stream.indirect_vreg.gather [hbm4b:s0+s2], $0x80, v2, vm0, $0xb8;
	[tilespmem:$0x10200] =	vst v63  }
0x191: {  	s8 =	simm.s32 $0x2200  }
0x192: {  	[tilespmem:s8], [sflag:$0x1] =	stream.indirect_vreg.gather [hbm4b:s14+s2], $0x80, v2, vm0, $0xb8;
	[tilespmem:$0x10200] =	vst v63  }
0x193: {  	s8 =	simm.s32 $0x2A00  }
0x194: {  	[tilespmem:s8], [sflag:$0x1] =	stream.indirect_vreg.gather [hbm4b:s17+s2], $0x80, v2, vm0, $0xb8;
	[tilespmem:$0x10200] =	vst v63  }
0x195: {  	s14 =	simm.s32 $0x3200  }
0x196: {  	[tilespmem:s14], [sflag:$0x1] =	stream.indirect_vreg.gather [hbm4b:s19+s2], $0x80, v2, vm0, $0xb8;
	[tilespmem:$0x10200] =	vst v63  }
0x197: {  	s17 =	simm.s32 $0x3A00  }
0x198: {  	[tilespmem:s17], [sflag:$0x1] =	stream.indirect_vreg.gather [hbm4b:s21+s2], $0x80, v2, vm0, $0xb8;
	[tilespmem:$0x10200] =	vst v63  }
0x199: {  	s19 =	simm.s32 $0x4200  }
0x19a: {  	[tilespmem:s19], [sflag:$0x1] =	stream.indirect_vreg.gather [hbm4b:s23+s2], $0x80, v2, vm0, $0xb8;
	[tilespmem:$0x10200] =	vst v63  }
0x19b: {  	s23 =	sld [smem:$0x7E7];
	_ =	sdelay $0x1  }
0x19c: {  	s8 =	sld [smem:$0x7E8];
	s21 =	simm.s32 $0x4A00  }
0x19d: {  	[tilespmem:s21], [sflag:$0x1] =	stream.indirect_vreg.gather [hbm4b:s23+s2], $0x80, v2, vm0, $0xb8;
	[tilespmem:$0x10200] =	vst v63  }
0x19e: {  	s14 =	simm.s32 $0x5200  }
0x19f: {  	[tilespmem:s14], [sflag:$0x1] =	stream.indirect_vreg.gather [hbm4b:s8+s2], $0x80, v2, vm0, $0xb8;
	[tilespmem:$0x10200] =	vst v63  }
0x1a0: {  	s14 =	sld [smem:$0x7E9];
	_ =	sdelay $0x1  }
0x1a1: {  	s17 =	simm.s32 $0x5A00  }
0x1a2: {  	[tilespmem:s17], [sflag:$0x1] =	stream.indirect_vreg.gather [hbm4b:s14+s2], $0x80, v2, vm0, $0xb8;
	[tilespmem:$0x10200] =	vst v63  }
0x1a3: {  	s17 =	sld [smem:$0x7EA];
	_ =	sdelay $0x1  }
0x1a4: {  	s19 =	simm.s32 $0x6200  }
0x1a5: {  	[tilespmem:s19], [sflag:$0x1] =	stream.indirect_vreg.gather [hbm4b:s17+s2], $0x80, v2, vm0, $0xb8;
	[tilespmem:$0x10200] =	vst v63  }
0x1a6: {  	s19 =	sld [smem:$0x7EB];
	_ =	sdelay $0x1  }
0x1a7: {  	s21 =	simm.s32 $0x6A00  }
0x1a8: {  	[tilespmem:s21], [sflag:$0x1] =	stream.indirect_vreg.gather [hbm4b:s19+s2], $0x80, v2, vm0, $0xb8;
	[tilespmem:$0x10200] =	vst v63  }
0x1a9: {  	s21 =	sld [smem:$0x7EC];
	_ =	sdelay $0x1  }
0x1aa: {  	s0 =	sld [smem:$0x7ED];
	s23 =	simm.s32 $0x7200  }
0x1ab: {  	[tilespmem:s23], [sflag:$0x1] =	stream.indirect_vreg.gather [hbm4b:s21+s2], $0x80, v2, vm0, $0xb8;
	[tilespmem:$0x10200] =	vst v63  }
0x1ac: {  	s23 =	simm.s32 $0x7A00  }
0x1ad: {  	[tilespmem:s23], [sflag:$0x1] =	stream.indirect_vreg.gather [hbm4b:s0+s2], $0x80, v2, vm0, $0xb8;
	[tilespmem:$0x10200] =	vst v63  }
0x1ae: {  	s0 =	sld [smem:$0x7EE];
	_ =	sdelay $0x1  }
0x1af: {  	s23 =	simm.s32 $0x8200  }
0x1b0: {  	[tilespmem:s23], [sflag:$0x1] =	stream.indirect_vreg.gather [hbm4b:s0+s2], $0x80, v2, vm0, $0xb8;
	[tilespmem:$0x10200] =	vst v63  }
0x1b1: {  	s0 =	sld [smem:$0x7EF];
	_ =	sdelay $0x1  }
0x1b2: {  	s23 =	simm.s32 $0x8A00  }
0x1b3: {  	[tilespmem:s23], [sflag:$0x1] =	stream.indirect_vreg.gather [hbm4b:s0+s2], $0x80, v2, vm0, $0xb8;
	[tilespmem:$0x10200] =	vst v63  }
0x1b4: {  	s0 =	simm.s32 $0x9200  }
0x1b5: {  	[tilespmem:s0], [sflag:$0x1] =	stream.indirect_vreg.gather [hbm4b:s25+s2], $0x80, v2, vm0, $0xb8;
	[tilespmem:$0x10200] =	vst v63  }
0x1b6: {  	s0 =	sld [smem:$0x7F1];
	_ =	sdelay $0x1  }
0x1b7: {  	s25 =	simm.s32 $0x9A00  }
0x1b8: {  	[tilespmem:s25], [sflag:$0x1] =	stream.indirect_vreg.gather [hbm4b:s0+s2], $0x80, v2, vm0, $0xb8;
	[tilespmem:$0x10200] =	vst v63  }
0x1b9: {  	s25 =	sld [smem:$0x7F2];
	_ =	sdelay $0x1  }
0x1ba: {  	s0 =	simm.s32 $0xA200  }
0x1bb: {  	[tilespmem:s0], [sflag:$0x1] =	stream.indirect_vreg.gather [hbm4b:s25+s2], $0x80, v2, vm0, $0xb8;
	[tilespmem:$0x10200] =	vst v63  }
0x1bc: {  	s25 =	sld [smem:$0x7F3];
	_ =	sdelay $0x1  }
0x1bd: {  	s0 =	simm.s32 $0xAA00  }
0x1be: {  	[tilespmem:s0], [sflag:$0x1] =	stream.indirect_vreg.gather [hbm4b:s25+s2], $0x80, v2, vm0, $0xb8;
	[tilespmem:$0x10200] =	vst v63  }
0x1bf: {  	s25 =	sld [smem:$0x7F4];
	_ =	sdelay $0x1  }
0x1c0: {  	s0 =	simm.s32 $0xB200  }
0x1c1: {  	[tilespmem:s0], [sflag:$0x1] =	stream.indirect_vreg.gather [hbm4b:s25+s2], $0x80, v2, vm0, $0xb8;
	[tilespmem:$0x10200] =	vst v63  }
0x1c2: {  	s25 =	sld [smem:$0x7F5];
	_ =	sdelay $0x1  }
0x1c3: {  	s0 =	simm.s32 $0xBA00  }
0x1c4: {  	[tilespmem:s0], [sflag:$0x1] =	stream.indirect_vreg.gather [hbm4b:s25+s2], $0x80, v2, vm0, $0xb8;
	[tilespmem:$0x10200] =	vst v63  }
0x1c5: {  	s25 =	sld [smem:$0x7F6];
	_ =	sdelay $0x1  }
0x1c6: {  	s0 =	simm.s32 $0xC200  }
0x1c7: {  	[tilespmem:s0], [sflag:$0x1] =	stream.indirect_vreg.gather [hbm4b:s25+s2], $0x80, v2, vm0, $0xb8;
	[tilespmem:$0x10200] =	vst v63  }
0x1c8: {  	s25 =	sld [smem:$0x7F7];
	_ =	sdelay $0x1  }
0x1c9: {  	s0 =	simm.s32 $0xCA00  }
0x1ca: {  	[tilespmem:s0], [sflag:$0x1] =	stream.indirect_vreg.gather [hbm4b:s25+s2], $0x80, v2, vm0, $0xb8;
	[tilespmem:$0x10200] =	vst v63  }
0x1cb: {  	s25 =	sld [smem:$0x7F8];
	_ =	sdelay $0x1  }
0x1cc: {  	s0 =	simm.s32 $0xD200  }
0x1cd: {  	[tilespmem:s0], [sflag:$0x1] =	stream.indirect_vreg.gather [hbm4b:s25+s2], $0x80, v2, vm0, $0xb8;
	[tilespmem:$0x10200] =	vst v63  }
0x1ce: {  	s25 =	sld [smem:$0x7F9];
	_ =	sdelay $0x1  }
0x1cf: {  	s0 =	simm.s32 $0xDA00  }
0x1d0: {  	[tilespmem:s0], [sflag:$0x1] =	stream.indirect_vreg.gather [hbm4b:s25+s2], $0x80, v2, vm0, $0xb8;
	[tilespmem:$0x10200] =	vst v63  }
0x1d1: {  	s25 =	simm.s32 $0xE200  }
0x1d2: {  	[tilespmem:s25], [sflag:$0x1] =	stream.indirect_vreg.gather [hbm4b:s7+s2], $0x80, v2, vm0, $0xb8;
	[tilespmem:$0x10200] =	vst v63  }
0x1d3: {  	s25 =	sld [smem:$0x7FB];
	_ =	sdelay $0x1  }
0x1d4: {  	s0 =	simm.s32 $0xEA00  }
0x1d5: {  	[tilespmem:s0], [sflag:$0x1] =	stream.indirect_vreg.gather [hbm4b:s25+s2], $0x80, v2, vm0, $0xb8;
	[tilespmem:$0x10200] =	vst v63  }
0x1d6: {  	s7 =	sld [smem:$0x7FD];
	s25 =	simm.s32 $0xF200  }
0x1d7: {  	[tilespmem:s25], [sflag:$0x1] =	stream.indirect_vreg.gather [hbm4b:s6+s2], $0x80, v2, vm0, $0xb8;
	[tilespmem:$0x10200] =	vst v63  }
0x1d8: {  	s25 =	simm.s32 $0xFA00  }
0x1d9: {  	[tilespmem:s25], [sflag:$0x1] =	stream.indirect_vreg.gather [hbm4b:s7+s2], $0x80, v2, vm0, $0xb8;
	[tilespmem:$0x10200] =	vst v63  }
0x1da: {  	s7 =	simm.s32 $0x1  }
0x1db: {  	_ =	swait.ge [sflag:s7], $0x10000  }
0x1dc: {  	[sflag:s7] =	ssyncset.done $0x0  }
0x1dd: {  	[sflag:s7] =	ssyncadd.s32 $0xFFFF0000  }
0x1de: {  	v2 =	vld.msk [tilespmem:$0x100], $0x3;
	_ =	sdelay $0x4  }
0x1df: {  	v3 =	vshll.u32 v2, $0x8  }
0x1e0: {  	v2 =	vand.u32 $0x7, v2;
	v3 =	vand.u32 $0xFFFFF800, v3  }
0x1e1: {  	v2 =	vor.u32 v2, v3  }
0x1e2: {  	v2 =	vperm.xlane v2, v0;
	_ =	sdelay $0x1  }
0x1e3: {  	v2 =	vadd.s32 v1, v2;
	_ =	sdelay $0x3  }
0x1e4: {  	s7 =	simm.s32 $0x200  }
0x1e5: {  	[hbm4b:s15+s2] =	stream.indirect_vreg.scatter [tilespmem:s7], [sflag:$0x1], $0x80, v2, vm0, $0xb8;
	[tilespmem:$0x10200] =	vst v63  }
0x1e6: {  	s25 =	rddreg [dreg:$0x6];
	s15 =	simm.s32 $0xA00  }
0x1e7: {  	[hbm4b:s25+s2] =	stream.indirect_vreg.scatter [tilespmem:s15], [sflag:$0x1], $0x80, v2, vm0, $0xb8;
	[tilespmem:$0x10200] =	vst v63  }
0x1e8: {  	s25 =	simm.s32 $0x1200  }
0x1e9: {  	[hbm4b:s16+s2] =	stream.indirect_vreg.scatter [tilespmem:s25], [sflag:$0x1], $0x80, v2, vm0, $0xb8;
	[tilespmem:$0x10200] =	vst v63  }
0x1ea: {  	s0 =	rddreg [dreg:$0x8];
	s16 =	simm.s32 $0x1A00  }
0x1eb: {  	[hbm4b:s0+s2] =	stream.indirect_vreg.scatter [tilespmem:s16], [sflag:$0x1], $0x80, v2, vm0, $0xb8;
	[tilespmem:$0x10200] =	vst v63  }
0x1ec: {  	s0 =	simm.s32 $0x2200  }
0x1ed: {  	[hbm4b:s18+s2] =	stream.indirect_vreg.scatter [tilespmem:s0], [sflag:$0x1], $0x80, v2, vm0, $0xb8;
	[tilespmem:$0x10200] =	vst v63  }
0x1ee: {  	s0 =	rddreg [dreg:$0xa];
	s18 =	simm.s32 $0x2A00  }
0x1ef: {  	[hbm4b:s0+s2] =	stream.indirect_vreg.scatter [tilespmem:s18], [sflag:$0x1], $0x80, v2, vm0, $0xb8;
	[tilespmem:$0x10200] =	vst v63  }
0x1f0: {  	s0 =	simm.s32 $0x3200  }
0x1f1: {  	[hbm4b:s20+s2] =	stream.indirect_vreg.scatter [tilespmem:s0], [sflag:$0x1], $0x80, v2, vm0, $0xb8;
	[tilespmem:$0x10200] =	vst v63  }
0x1f2: {  	s0 =	rddreg [dreg:$0xc];
	s20 =	simm.s32 $0x3A00  }
0x1f3: {  	[hbm4b:s0+s2] =	stream.indirect_vreg.scatter [tilespmem:s20], [sflag:$0x1], $0x80, v2, vm0, $0xb8;
	[tilespmem:$0x10200] =	vst v63  }
0x1f4: {  	s0 =	simm.s32 $0x4200  }
0x1f5: {  	[hbm4b:s24+s2] =	stream.indirect_vreg.scatter [tilespmem:s0], [sflag:$0x1], $0x80, v2, vm0, $0xb8;
	[tilespmem:$0x10200] =	vst v63  }
0x1f6: {  	s24 =	simm.s32 $0x4A00  }
0x1f7: {  	[hbm4b:s22+s2] =	stream.indirect_vreg.scatter [tilespmem:s24], [sflag:$0x1], $0x80, v2, vm0, $0xb8;
	[tilespmem:$0x10200] =	vst v63  }
0x1f8: {  	s22 =	rddreg [dreg:$0xe];
	s24 =	simm.s32 $0x5200  }
0x1f9: {  	[hbm4b:s22+s2] =	stream.indirect_vreg.scatter [tilespmem:s24], [sflag:$0x1], $0x80, v2, vm0, $0xb8;
	[tilespmem:$0x10200] =	vst v63  }
0x1fa: {  	s24 =	simm.s32 $0x5A00  }
0x1fb: {  	[hbm4b:s26+s2] =	stream.indirect_vreg.scatter [tilespmem:s24], [sflag:$0x1], $0x80, v2, vm0, $0xb8;
	[tilespmem:$0x10200] =	vst v63  }
0x1fc: {  	s26 =	simm.s32 $0x6200  }
0x1fd: {  	[hbm4b:s28+s2] =	stream.indirect_vreg.scatter [tilespmem:s26], [sflag:$0x1], $0x80, v2, vm0, $0xb8;
	[tilespmem:$0x10200] =	vst v63  }
0x1fe: {  	s28 =	simm.s32 $0x6A00  }
0x1ff: {  	[hbm4b:s29+s2] =	stream.indirect_vreg.scatter [tilespmem:s28], [sflag:$0x1], $0x80, v2, vm0, $0xb8;
	[tilespmem:$0x10200] =	vst v63  }
0x200: {  	s29 =	simm.s32 $0x7200  }
0x201: {  	[hbm4b:s30+s2] =	stream.indirect_vreg.scatter [tilespmem:s29], [sflag:$0x1], $0x80, v2, vm0, $0xb8;
	[tilespmem:$0x10200] =	vst v63  }
0x202: {  	s24 =	simm.s32 $0x7A00  }
0x203: {  	[hbm4b:s31+s2] =	stream.indirect_vreg.scatter [tilespmem:s24], [sflag:$0x1], $0x80, v2, vm0, $0xb8;
	[tilespmem:$0x10200] =	vst v63  }
0x204: {  	s26 =	simm.s32 $0x8200  }
0x205: {  	[hbm4b:s11+s2] =	stream.indirect_vreg.scatter [tilespmem:s26], [sflag:$0x1], $0x80, v2, vm0, $0xb8;
	[tilespmem:$0x10200] =	vst v63  }
0x206: {  	s23 =	simm.s32 $0x8A00  }
0x207: {  	[hbm4b:s10+s2] =	stream.indirect_vreg.scatter [tilespmem:s23], [sflag:$0x1], $0x80, v2, vm0, $0xb8;
	[tilespmem:$0x10200] =	vst v63  }
0x208: {  	s28 =	simm.s32 $0x9200;
	s10 =	rddreg [dreg:$0x16]  }
0x209: {  	[hbm4b:s10+s2] =	stream.indirect_vreg.scatter [tilespmem:s28], [sflag:$0x1], $0x80, v2, vm0, $0xb8;
	[tilespmem:$0x10200] =	vst v63  }
0x20a: {  	s29 =	simm.s32 $0x9A00;
	s11 =	rddreg [dreg:$0x17]  }
0x20b: {  	[hbm4b:s11+s2] =	stream.indirect_vreg.scatter [tilespmem:s29], [sflag:$0x1], $0x80, v2, vm0, $0xb8;
	[tilespmem:$0x10200] =	vst v63  }
0x20c: {  	s30 =	simm.s32 $0xA200;
	s26 =	rddreg [dreg:$0x19]  }
0x20d: {  	[hbm4b:s26+s2] =	stream.indirect_vreg.scatter [tilespmem:s30], [sflag:$0x1], $0x80, v2, vm0, $0xb8;
	[tilespmem:$0x10200] =	vst v63  }
0x20e: {  	s31 =	simm.s32 $0xAA00;
	s28 =	rddreg [dreg:$0x1a]  }
0x20f: {  	[hbm4b:s28+s2] =	stream.indirect_vreg.scatter [tilespmem:s31], [sflag:$0x1], $0x80, v2, vm0, $0xb8;
	[tilespmem:$0x10200] =	vst v63  }
0x210: {  	s24 =	simm.s32 $0xB200;
	s29 =	rddreg [dreg:$0x1b]  }
0x211: {  	[hbm4b:s29+s2] =	stream.indirect_vreg.scatter [tilespmem:s24], [sflag:$0x1], $0x80, v2, vm0, $0xb8;
	[tilespmem:$0x10200] =	vst v63  }
0x212: {  	s30 =	rddreg [dreg:$0x1c];
	s31 =	simm.s32 $0xBA00  }
0x213: {  	[hbm4b:s30+s2] =	stream.indirect_vreg.scatter [tilespmem:s31], [sflag:$0x1], $0x80, v2, vm0, $0xb8;
	[tilespmem:$0x10200] =	vst v63  }
0x214: {  	s23 =	simm.s32 $0xC200  }
0x215: {  	[hbm4b:s13+s2] =	stream.indirect_vreg.scatter [tilespmem:s23], [sflag:$0x1], $0x80, v2, vm0, $0xb8;
	[tilespmem:$0x10200] =	vst v63  }
0x216: {  	s13 =	simm.s32 $0xCA00  }
0x217: {  	[hbm4b:s5+s2] =	stream.indirect_vreg.scatter [tilespmem:s13], [sflag:$0x1], $0x80, v2, vm0, $0xb8;
	[tilespmem:$0x10200] =	vst v63  }
0x218: {  	s5 =	simm.s32 $0xD200;
	s13 =	sld [smem:$0x7DA]  }
0x219: {  	[hbm4b:s12+s2] =	stream.indirect_vreg.scatter [tilespmem:s5], [sflag:$0x1], $0x80, v2, vm0, $0xb8;
	[tilespmem:$0x10200] =	vst v63  }
0x21a: {  	s12 =	simm.s32 $0xDA00  }
0x21b: {  	[hbm4b:s13+s2] =	stream.indirect_vreg.scatter [tilespmem:s12], [sflag:$0x1], $0x80, v2, vm0, $0xb8;
	[tilespmem:$0x10200] =	vst v63  }
0x21c: {  	s23 =	simm.s32 $0xE200  }
0x21d: {  	[hbm4b:s9+s2] =	stream.indirect_vreg.scatter [tilespmem:s23], [sflag:$0x1], $0x80, v2, vm0, $0xb8;
	[tilespmem:$0x10200] =	vst v63  }
0x21e: {  	s23 =	simm.s32 $0xEA00  }
0x21f: {  	[hbm4b:s1+s2] =	stream.indirect_vreg.scatter [tilespmem:s23], [sflag:$0x1], $0x80, v2, vm0, $0xb8;
	[tilespmem:$0x10200] =	vst v63  }
0x220: {  	s1 =	simm.s32 $0xF200  }
0x221: {  	[hbm4b:s3+s2] =	stream.indirect_vreg.scatter [tilespmem:s1], [sflag:$0x1], $0x80, v2, vm0, $0xb8;
	[tilespmem:$0x10200] =	vst v63  }
0x222: {  	s6 =	simm.s32 $0x1;
	s9 =	simm.s32 $0xFA00  }
0x223: {  	[hbm4b:s4+s2] =	stream.indirect_vreg.scatter [tilespmem:s9], [sflag:$0x1], $0x80, v2, vm0, $0xb8;
	[tilespmem:$0x10200] =	vst v63  }
0x224: {  	_ =	swait.ge [sflag:s6], $0x10000  }
0x225: {  	[sflag:s6] =	ssyncset.done $0x0  }
0x226: {  	[sflag:s6] =	ssyncadd.s32 $0xFFFF0000  }
0x227: {  	v2 =	vld.msk [tilespmem:$0x180], $0x3;
	_ =	sdelay $0x4  }
0x228: {  	v3 =	vshll.u32 v2, $0x8  }
0x229: {  	v2 =	vand.u32 $0x7, v2;
	v3 =	vand.u32 $0xFFFFF800, v3  }
0x22a: {  	v2 =	vor.u32 v2, v3  }
0x22b: {  	v2 =	vperm.xlane v2, v0;
	_ =	sdelay $0x1  }
0x22c: {  	v2 =	vadd.s32 v1, v2;
	_ =	sdelay $0x2  }
0x22d: {  	s4 =	sld [smem:$0x7DF]  }
0x22e: {  	s3 =	rddreg [dreg:$0x0]  }
0x22f: {  	[tilespmem:s7], [sflag:$0x1] =	stream.indirect_vreg.gather [hbm4b:s3+s2], $0x80, v2, vm0, $0xb8;
	[tilespmem:$0x10200] =	vst v63  }
0x230: {  	s7 =	sld [smem:$0x7E0]  }
0x231: {  	[tilespmem:s15], [sflag:$0x1] =	stream.indirect_vreg.gather [hbm4b:s4+s2], $0x80, v2, vm0, $0xb8;
	[tilespmem:$0x10200] =	vst v63  }
0x232: {  	s15 =	sld [smem:$0x7E1]  }
0x233: {  	[tilespmem:s25], [sflag:$0x1] =	stream.indirect_vreg.gather [hbm4b:s7+s2], $0x80, v2, vm0, $0xb8;
	[tilespmem:$0x10200] =	vst v63  }
0x234: {  	_ = 	snop  }
0x235: {  	[tilespmem:s16], [sflag:$0x1] =	stream.indirect_vreg.gather [hbm4b:s15+s2], $0x80, v2, vm0, $0xb8;
	[tilespmem:$0x10200] =	vst v63  }
0x236: {  	s16 =	sld [smem:$0x7E2];
	_ =	sdelay $0x1  }
0x237: {  	s23 =	simm.s32 $0x2200;
	s25 =	sld [smem:$0x7E3]  }
0x238: {  	[tilespmem:s23], [sflag:$0x1] =	stream.indirect_vreg.gather [hbm4b:s16+s2], $0x80, v2, vm0, $0xb8;
	[tilespmem:$0x10200] =	vst v63  }
0x239: {  	s3 =	sld [smem:$0x7E4]  }
0x23a: {  	[tilespmem:s18], [sflag:$0x1] =	stream.indirect_vreg.gather [hbm4b:s25+s2], $0x80, v2, vm0, $0xb8;
	[tilespmem:$0x10200] =	vst v63  }
0x23b: {  	s4 =	simm.s32 $0x3200;
	s7 =	sld [smem:$0x7E5]  }
0x23c: {  	[tilespmem:s4], [sflag:$0x1] =	stream.indirect_vreg.gather [hbm4b:s3+s2], $0x80, v2, vm0, $0xb8;
	[tilespmem:$0x10200] =	vst v63  }
0x23d: {  	s15 =	sld [smem:$0x7E6]  }
0x23e: {  	[tilespmem:s20], [sflag:$0x1] =	stream.indirect_vreg.gather [hbm4b:s7+s2], $0x80, v2, vm0, $0xb8;
	[tilespmem:$0x10200] =	vst v63  }
0x23f: {  	s16 =	sld [smem:$0x7E7];
	s3 =	simm.s32 $0x4200  }
0x240: {  	[tilespmem:s3], [sflag:$0x1] =	stream.indirect_vreg.gather [hbm4b:s15+s2], $0x80, v2, vm0, $0xb8;
	[tilespmem:$0x10200] =	vst v63  }
0x241: {  	s4 =	simm.s32 $0x4A00  }
0x242: {  	[tilespmem:s4], [sflag:$0x1] =	stream.indirect_vreg.gather [hbm4b:s16+s2], $0x80, v2, vm0, $0xb8;
	[tilespmem:$0x10200] =	vst v63  }
0x243: {  	s7 =	simm.s32 $0x5200  }
0x244: {  	[tilespmem:s7], [sflag:$0x1] =	stream.indirect_vreg.gather [hbm4b:s8+s2], $0x80, v2, vm0, $0xb8;
	[tilespmem:$0x10200] =	vst v63  }
0x245: {  	s15 =	simm.s32 $0x5A00  }
0x246: {  	[tilespmem:s15], [sflag:$0x1] =	stream.indirect_vreg.gather [hbm4b:s14+s2], $0x80, v2, vm0, $0xb8;
	[tilespmem:$0x10200] =	vst v63  }
0x247: {  	s8 =	simm.s32 $0x6200  }
0x248: {  	[tilespmem:s8], [sflag:$0x1] =	stream.indirect_vreg.gather [hbm4b:s17+s2], $0x80, v2, vm0, $0xb8;
	[tilespmem:$0x10200] =	vst v63  }
0x249: {  	s14 =	simm.s32 $0x6A00  }
0x24a: {  	[tilespmem:s14], [sflag:$0x1] =	stream.indirect_vreg.gather [hbm4b:s19+s2], $0x80, v2, vm0, $0xb8;
	[tilespmem:$0x10200] =	vst v63  }
0x24b: {  	s18 =	sld [smem:$0x7ED];
	s16 =	simm.s32 $0x7200  }
0x24c: {  	[tilespmem:s16], [sflag:$0x1] =	stream.indirect_vreg.gather [hbm4b:s21+s2], $0x80, v2, vm0, $0xb8;
	[tilespmem:$0x10200] =	vst v63  }
0x24d: {  	s17 =	simm.s32 $0x7A00;
	s19 =	sld [smem:$0x7EE]  }
0x24e: {  	[tilespmem:s17], [sflag:$0x1] =	stream.indirect_vreg.gather [hbm4b:s18+s2], $0x80, v2, vm0, $0xb8;
	[tilespmem:$0x10200] =	vst v63  }
0x24f: {  	s20 =	sld [smem:$0x7EF];
	s18 =	simm.s32 $0x8200  }
0x250: {  	[tilespmem:s18], [sflag:$0x1] =	stream.indirect_vreg.gather [hbm4b:s19+s2], $0x80, v2, vm0, $0xb8;
	[tilespmem:$0x10200] =	vst v63  }
0x251: {  	s21 =	sld [smem:$0x7F0];
	s19 =	simm.s32 $0x8A00  }
0x252: {  	[tilespmem:s19], [sflag:$0x1] =	stream.indirect_vreg.gather [hbm4b:s20+s2], $0x80, v2, vm0, $0xb8;
	[tilespmem:$0x10200] =	vst v63  }
0x253: {  	s23 =	sld [smem:$0x7F1];
	s20 =	simm.s32 $0x9200  }
0x254: {  	[tilespmem:s20], [sflag:$0x1] =	stream.indirect_vreg.gather [hbm4b:s21+s2], $0x80, v2, vm0, $0xb8;
	[tilespmem:$0x10200] =	vst v63  }
0x255: {  	s25 =	sld [smem:$0x7F2];
	s21 =	simm.s32 $0x9A00  }
0x256: {  	[tilespmem:s21], [sflag:$0x1] =	stream.indirect_vreg.gather [hbm4b:s23+s2], $0x80, v2, vm0, $0xb8;
	[tilespmem:$0x10200] =	vst v63  }
0x257: {  	s0 =	sld [smem:$0x7F3];
	s23 =	simm.s32 $0xA200  }
0x258: {  	[tilespmem:s23], [sflag:$0x1] =	stream.indirect_vreg.gather [hbm4b:s25+s2], $0x80, v2, vm0, $0xb8;
	[tilespmem:$0x10200] =	vst v63  }
0x259: {  	s25 =	simm.s32 $0xAA00  }
0x25a: {  	[tilespmem:s25], [sflag:$0x1] =	stream.indirect_vreg.gather [hbm4b:s0+s2], $0x80, v2, vm0, $0xb8;
	[tilespmem:$0x10200] =	vst v63  }
0x25b: {  	s25 =	sld [smem:$0x7F4];
	_ =	sdelay $0x2  }
0x25c: {  	[tilespmem:s24], [sflag:$0x1] =	stream.indirect_vreg.gather [hbm4b:s25+s2], $0x80, v2, vm0, $0xb8;
	[tilespmem:$0x10200] =	vst v63  }
0x25d: {  	s25 =	sld [smem:$0x7F5];
	_ =	sdelay $0x1  }
0x25e: {  	s24 =	sld [smem:$0x7F6]  }
0x25f: {  	[tilespmem:s31], [sflag:$0x1] =	stream.indirect_vreg.gather [hbm4b:s25+s2], $0x80, v2, vm0, $0xb8;
	[tilespmem:$0x10200] =	vst v63  }
0x260: {  	s0 =	sld [smem:$0x7F7];
	s25 =	simm.s32 $0xC200  }
0x261: {  	[tilespmem:s25], [sflag:$0x1] =	stream.indirect_vreg.gather [hbm4b:s24+s2], $0x80, v2, vm0, $0xb8;
	[tilespmem:$0x10200] =	vst v63  }
0x262: {  	s24 =	simm.s32 $0xCA00  }
0x263: {  	[tilespmem:s24], [sflag:$0x1] =	stream.indirect_vreg.gather [hbm4b:s0+s2], $0x80, v2, vm0, $0xb8;
	[tilespmem:$0x10200] =	vst v63  }
0x264: {  	s0 =	sld [smem:$0x7F8];
	_ =	sdelay $0x2  }
0x265: {  	[tilespmem:s5], [sflag:$0x1] =	stream.indirect_vreg.gather [hbm4b:s0+s2], $0x80, v2, vm0, $0xb8;
	[tilespmem:$0x10200] =	vst v63  }
0x266: {  	s5 =	sld [smem:$0x7F9];
	_ =	sdelay $0x2  }
0x267: {  	[tilespmem:s12], [sflag:$0x1] =	stream.indirect_vreg.gather [hbm4b:s5+s2], $0x80, v2, vm0, $0xb8;
	[tilespmem:$0x10200] =	vst v63  }
0x268: {  	s12 =	sld [smem:$0x7FA];
	_ =	sdelay $0x1  }
0x269: {  	s0 =	sld [smem:$0x7FB];
	s5 =	simm.s32 $0xE200  }
0x26a: {  	[tilespmem:s5], [sflag:$0x1] =	stream.indirect_vreg.gather [hbm4b:s12+s2], $0x80, v2, vm0, $0xb8;
	[tilespmem:$0x10200] =	vst v63  }
0x26b: {  	s12 =	simm.s32 $0xEA00  }
0x26c: {  	[tilespmem:s12], [sflag:$0x1] =	stream.indirect_vreg.gather [hbm4b:s0+s2], $0x80, v2, vm0, $0xb8;
	[tilespmem:$0x10200] =	vst v63  }
0x26d: {  	s0 =	sld [smem:$0x7FC];
	_ =	sdelay $0x2  }
0x26e: {  	[tilespmem:s1], [sflag:$0x1] =	stream.indirect_vreg.gather [hbm4b:s0+s2], $0x80, v2, vm0, $0xb8;
	[tilespmem:$0x10200] =	vst v63  }
0x26f: {  	s0 =	sld [smem:$0x7FD];
	_ =	sdelay $0x2  }
0x270: {  	[tilespmem:s9], [sflag:$0x1] =	stream.indirect_vreg.gather [hbm4b:s0+s2], $0x80, v2, vm0, $0xb8;
	[tilespmem:$0x10200] =	vst v63  }
0x271: {  	_ =	swait.ge [sflag:s6], $0x10000  }
0x272: {  	[sflag:s6] =	ssyncset.done $0x0  }
0x273: {  	[sflag:s6] =	ssyncadd.s32 $0xFFFF0000  }
0x274: {  	v2 =	vld.msk [tilespmem:$0x180], $0x3;
	_ =	sdelay $0x4  }
0x275: {  	v3 =	vshll.u32 v2, $0x8  }
0x276: {  	v2 =	vand.u32 $0x7, v2;
	v3 =	vand.u32 $0xFFFFF800, v3  }
0x277: {  	v2 =	vor.u32 v2, v3  }
0x278: {  	v2 =	vperm.xlane v2, v0;
	_ =	sdelay $0x1  }
0x279: {  	v2 =	vadd.s32 v1, v2;
	_ =	sdelay $0x3  }
0x27a: {  	s0 =	rddreg [dreg:$0x5];
	s6 =	simm.s32 $0x200  }
0x27b: {  	[hbm4b:s0+s2] =	stream.indirect_vreg.scatter [tilespmem:s6], [sflag:$0x1], $0x80, v2, vm0, $0xb8;
	[tilespmem:$0x10200] =	vst v63  }
0x27c: {  	s0 =	rddreg [dreg:$0x6];
	s6 =	simm.s32 $0xA00  }
0x27d: {  	[hbm4b:s0+s2] =	stream.indirect_vreg.scatter [tilespmem:s6], [sflag:$0x1], $0x80, v2, vm0, $0xb8;
	[tilespmem:$0x10200] =	vst v63  }
0x27e: {  	s0 =	rddreg [dreg:$0x7];
	s6 =	simm.s32 $0x1200  }
0x27f: {  	[hbm4b:s0+s2] =	stream.indirect_vreg.scatter [tilespmem:s6], [sflag:$0x1], $0x80, v2, vm0, $0xb8;
	[tilespmem:$0x10200] =	vst v63  }
0x280: {  	s0 =	rddreg [dreg:$0x8];
	s6 =	simm.s32 $0x1A00  }
0x281: {  	[hbm4b:s0+s2] =	stream.indirect_vreg.scatter [tilespmem:s6], [sflag:$0x1], $0x80, v2, vm0, $0xb8;
	[tilespmem:$0x10200] =	vst v63  }
0x282: {  	s0 =	rddreg [dreg:$0x9];
	s6 =	simm.s32 $0x2200  }
0x283: {  	[hbm4b:s0+s2] =	stream.indirect_vreg.scatter [tilespmem:s6], [sflag:$0x1], $0x80, v2, vm0, $0xb8;
	[tilespmem:$0x10200] =	vst v63  }
0x284: {  	s0 =	rddreg [dreg:$0xa];
	s6 =	simm.s32 $0x2A00  }
0x285: {  	[hbm4b:s0+s2] =	stream.indirect_vreg.scatter [tilespmem:s6], [sflag:$0x1], $0x80, v2, vm0, $0xb8;
	[tilespmem:$0x10200] =	vst v63  }
0x286: {  	s0 =	rddreg [dreg:$0xb];
	s6 =	simm.s32 $0x3200  }
0x287: {  	[hbm4b:s0+s2] =	stream.indirect_vreg.scatter [tilespmem:s6], [sflag:$0x1], $0x80, v2, vm0, $0xb8;
	[tilespmem:$0x10200] =	vst v63  }
0x288: {  	s0 =	rddreg [dreg:$0xc];
	s6 =	simm.s32 $0x3A00  }
0x289: {  	[hbm4b:s0+s2] =	stream.indirect_vreg.scatter [tilespmem:s6], [sflag:$0x1], $0x80, v2, vm0, $0xb8;
	[tilespmem:$0x10200] =	vst v63  }
0x28a: {  	s6 =	rddreg [dreg:$0xf]  }
0x28b: {  	[hbm4b:s6+s2] =	stream.indirect_vreg.scatter [tilespmem:s3], [sflag:$0x1], $0x80, v2, vm0, $0xb8;
	[tilespmem:$0x10200] =	vst v63  }
0x28c: {  	s3 =	rddreg [dreg:$0xd]  }
0x28d: {  	[hbm4b:s3+s2] =	stream.indirect_vreg.scatter [tilespmem:s4], [sflag:$0x1], $0x80, v2, vm0, $0xb8;
	[tilespmem:$0x10200] =	vst v63  }
0x28e: {  	_ = 	snop  }
0x28f: {  	[hbm4b:s22+s2] =	stream.indirect_vreg.scatter [tilespmem:s7], [sflag:$0x1], $0x80, v2, vm0, $0xb8;
	[tilespmem:$0x10200] =	vst v63  }
0x290: {  	s4 =	rddreg [dreg:$0x10]  }
0x291: {  	[hbm4b:s4+s2] =	stream.indirect_vreg.scatter [tilespmem:s15], [sflag:$0x1], $0x80, v2, vm0, $0xb8;
	[tilespmem:$0x10200] =	vst v63  }
0x292: {  	s6 =	rddreg [dreg:$0x11]  }
0x293: {  	[hbm4b:s6+s2] =	stream.indirect_vreg.scatter [tilespmem:s8], [sflag:$0x1], $0x80, v2, vm0, $0xb8;
	[tilespmem:$0x10200] =	vst v63  }
0x294: {  	s7 =	rddreg [dreg:$0x12]  }
0x295: {  	[hbm4b:s7+s2] =	stream.indirect_vreg.scatter [tilespmem:s14], [sflag:$0x1], $0x80, v2, vm0, $0xb8;
	[tilespmem:$0x10200] =	vst v63  }
0x296: {  	s8 =	rddreg [dreg:$0x13]  }
0x297: {  	[hbm4b:s8+s2] =	stream.indirect_vreg.scatter [tilespmem:s16], [sflag:$0x1], $0x80, v2, vm0, $0xb8;
	[tilespmem:$0x10200] =	vst v63  }
0x298: {  	s14 =	rddreg [dreg:$0x14]  }
0x299: {  	[hbm4b:s14+s2] =	stream.indirect_vreg.scatter [tilespmem:s17], [sflag:$0x1], $0x80, v2, vm0, $0xb8;
	[tilespmem:$0x10200] =	vst v63  }
0x29a: {  	s15 =	rddreg [dreg:$0x18]  }
0x29b: {  	[hbm4b:s15+s2] =	stream.indirect_vreg.scatter [tilespmem:s18], [sflag:$0x1], $0x80, v2, vm0, $0xb8;
	[tilespmem:$0x10200] =	vst v63  }
0x29c: {  	s16 =	rddreg [dreg:$0x15]  }
0x29d: {  	[hbm4b:s16+s2] =	stream.indirect_vreg.scatter [tilespmem:s19], [sflag:$0x1], $0x80, v2, vm0, $0xb8;
	[tilespmem:$0x10200] =	vst v63  }
0x29e: {  	_ = 	snop  }
0x29f: {  	[hbm4b:s10+s2] =	stream.indirect_vreg.scatter [tilespmem:s20], [sflag:$0x1], $0x80, v2, vm0, $0xb8;
	[tilespmem:$0x10200] =	vst v63  }
0x2a0: {  	_ = 	snop  }
0x2a1: {  	[hbm4b:s11+s2] =	stream.indirect_vreg.scatter [tilespmem:s21], [sflag:$0x1], $0x80, v2, vm0, $0xb8;
	[tilespmem:$0x10200] =	vst v63  }
0x2a2: {  	_ = 	snop  }
0x2a3: {  	[hbm4b:s26+s2] =	stream.indirect_vreg.scatter [tilespmem:s23], [sflag:$0x1], $0x80, v2, vm0, $0xb8;
	[tilespmem:$0x10200] =	vst v63  }
0x2a4: {  	s18 =	simm.s32 $0xAA00  }
0x2a5: {  	[hbm4b:s28+s2] =	stream.indirect_vreg.scatter [tilespmem:s18], [sflag:$0x1], $0x80, v2, vm0, $0xb8;
	[tilespmem:$0x10200] =	vst v63  }
0x2a6: {  	s19 =	simm.s32 $0xB200  }
0x2a7: {  	[hbm4b:s29+s2] =	stream.indirect_vreg.scatter [tilespmem:s19], [sflag:$0x1], $0x80, v2, vm0, $0xb8;
	[tilespmem:$0x10200] =	vst v63  }
0x2a8: {  	s31 =	simm.s32 $0xBA00;
	s22 =	rddreg [dreg:$0x1e]  }
0x2a9: {  	[hbm4b:s30+s2] =	stream.indirect_vreg.scatter [tilespmem:s31], [sflag:$0x1], $0x80, v2, vm0, $0xb8;
	[tilespmem:$0x10200] =	vst v63  }
0x2aa: {  	s20 =	rddreg [dreg:$0x1f]  }
0x2ab: {  	[hbm4b:s20+s2] =	stream.indirect_vreg.scatter [tilespmem:s25], [sflag:$0x1], $0x80, v2, vm0, $0xb8;
	[tilespmem:$0x10200] =	vst v63  }
0x2ac: {  	s21 =	rddreg [dreg:$0x1d]  }
0x2ad: {  	[hbm4b:s21+s2] =	stream.indirect_vreg.scatter [tilespmem:s24], [sflag:$0x1], $0x80, v2, vm0, $0xb8;
	[tilespmem:$0x10200] =	vst v63  }
0x2ae: {  	s17 =	sld [smem:$0x7D9];
	s23 =	simm.s32 $0xD200  }
0x2af: {  	[hbm4b:s22+s2] =	stream.indirect_vreg.scatter [tilespmem:s23], [sflag:$0x1], $0x80, v2, vm0, $0xb8;
	[tilespmem:$0x10200] =	vst v63  }
0x2b0: {  	s25 =	sld [smem:$0x7DB];
	s24 =	simm.s32 $0xDA00  }
0x2b1: {  	[hbm4b:s13+s2] =	stream.indirect_vreg.scatter [tilespmem:s24], [sflag:$0x1], $0x80, v2, vm0, $0xb8;
	[tilespmem:$0x10200] =	vst v63  }
0x2b2: {  	s26 =	sld [smem:$0x7DC]  }
0x2b3: {  	[hbm4b:s25+s2] =	stream.indirect_vreg.scatter [tilespmem:s5], [sflag:$0x1], $0x80, v2, vm0, $0xb8;
	[tilespmem:$0x10200] =	vst v63  }
0x2b4: {  	s28 =	sld [smem:$0x7DD]  }
0x2b5: {  	[hbm4b:s26+s2] =	stream.indirect_vreg.scatter [tilespmem:s12], [sflag:$0x1], $0x80, v2, vm0, $0xb8;
	[tilespmem:$0x10200] =	vst v63  }
0x2b6: {  	s1 =	simm.s32 $0xF200;
	p0 =	sne.s32 s17, $0x1;
	s29 =	sld [smem:$0x7DE]  }
0x2b7: {  	[hbm4b:s28+s2] =	stream.indirect_vreg.scatter [tilespmem:s1], [sflag:$0x1], $0x80, v2, vm0, $0xb8;
	[tilespmem:$0x10200] =	vst v63  }
.Ltmp0:
0x2b8: {  	s9 =	simm.s32 $0xFA00;
	s30 =	simm.s32 $0x1;
	(pc) =	sbr.rel @p0 .LBB2_1-.Ltmp0, $4  }
0x2b9: {  	[hbm4b:s29+s2] =	stream.indirect_vreg.scatter [tilespmem:s9], [sflag:$0x1], $0x80, v2, vm0, $0xb8;
	[tilespmem:$0x10200] =	vst v63  }
0x2ba: {  	_ =	swait.ge [sflag:s30], $0x10000  }
0x2bb: {  	s31 =	simm.s32 $0x1;
	[sflag:s30] =	ssyncset.done $0x0  }
0x2bc: {  	s0 =	sadd.s32 $0xFFFFFFFF, s17;
	[sflag:s31] =	ssyncadd.s32 $0xFFFF0000  }
0x2bd: {  	_ =	sfence.sel $0x180000  }
0x2be: {  	[bflag:$0x0] =	sbarrier.arrive $0xFFFF  }
0x2bf: {  	_ =	strace $0x90000047  }
0x2c0: {  	s0 =	stileid.u32;
	[bflag:$0x2] =	sbarrier.arrive $0xFFFF  }
0x2c1: {  	p0 =	sne.s32 s0, $0x0;
	s0 =	rddreg [dreg:$0x3]  }
0x2c2: {  	s0 =	sadd.s32 @!p0 $0x100000, s0  }
0x2c3: {  	[sflag:s0] =	ssyncadd.tile.s32 @!p0 $0x1;
	_ =	shalt  }
.Lfunc_end2:
_tile_overlayer_lowered:
.L_overlay_start_2:
0x2c4: {  	(tag) =	ssettag $0x2  }
0x2c5: {  	s0 =	rddreg [dreg:$0x0];
	s2 =	stileid.u32  }
0x2c6: {  	s1 =	rddreg [dreg:$0x1];
	p0 =	sne.s32 s2, $0x0  }
0x2c7: {  	s3 =	rddreg [dreg:$0x2];
	[bflag:$0x3] =	sbarrier.arrive $0xFFFF;
	s2 =	simm.s32 @!p0 $0x1C01  }
0x2c8: {  	[timem:s3], [sflag:s2] =	dma.local @!p0 [hbm:s0], s1  }
0x2c9: {  	s0 =	simm.s32 @!p0 $0x1  }
0x2ca: {  	_ =	swait.ge @!p0 [sflag:s0], s1  }
0x2cb: {  	s1 =	ssub.s32 @!p0 $0x0, s1;
	[sflag:s0] =	ssyncset.done @!p0 $0x0  }
0x2cc: {  	[sflag:s0] =	ssyncadd.s32 @!p0 s1  }
0x2cd: {  	[bflag:$0x3] =	sbarrier.arrive $0xFFFF  }
0x2ce: {  	_ =	shalt  }

</sc_bundles>
